<compile_context>
chip_gen: v7x
topology: tpu7x:2x2x1
jax: 0.10.2.dev20260603
libtpu: 0.0.44.dev20260713+nightly
codegen_flags: <defaults>
</compile_context>

<pallas_src>
import functools

import numpy as np
import jax
import jax.numpy as jnp
from jax import lax
from jax.experimental import pallas as pl
from jax.experimental.pallas import tpu as pltpu
from jax.experimental.pallas import tpu_sc as plsc

KE = 14.399645351950548
KE_HALF = KE / 2.0
ALPHA = 1.0
R_CUTOFF = 5.0
K_MAX = 10
TWO_PI = 2.0 * np.pi
SQRT_PI = float(np.sqrt(np.pi))
SELF_COEF = KE * ALPHA / SQRT_PI

AS_P = 0.3275911
AS_A1 = 0.254829592
AS_A2 = -0.284496736
AS_A3 = 1.421413741
AS_A4 = -1.453152027
AS_A5 = 1.061405429

INV_TWO_PI = 0.15915494309189535
TP_HI = 6.283203125
TP_MID = -1.7818063497543335e-05
TP_LO = 2.430837753308879e-10

N_ATOMS = 10000
N_PAD = 10240
BN = 512
NB = N_PAD // BN
B_STRUCT = 16
E_EDGES = 640000
NW = 32
EW_ROWS = 157
EW = EW_ROWS * 128
E_PAD = NW * EW
ACC_PAD = N_PAD


def _kmesh_half():
    k_idxs = np.arange(-K_MAX, K_MAX + 1).astype(np.float32)
    ku, kv, kw = np.meshgrid(k_idxs[K_MAX:], k_idxs, k_idxs, indexing='ij')
    km = np.stack([ku, kv, kw], axis=-1).reshape(-1, 3)
    ksq = (km ** 2).sum(-1)
    mask = (ksq > 0) & (ksq <= K_MAX ** 2)
    km = km[mask]
    sym = np.where(km[:, 0] == 0.0, 1.0, 2.0).astype(np.float32)
    return km.astype(np.float32), sym


_KM, _SYM = _kmesh_half()
K_REAL = _KM.shape[0]
K_PAD = ((K_REAL + 127) // 128) * 128
_KM_T = np.zeros((3, K_PAD), np.float32)
_KM_T[:, :K_REAL] = _KM.T
_SYM_PAD = np.zeros((1, K_PAD), np.float32)
_SYM_PAD[0, :K_REAL] = _SYM



def _sc_real_body(idxi_hbm, idxj_hbm, len_hbm, q_hbm, out_hbm,
                  idxi_v, idxj_v, len_v, vals_v, q_v, z_v, acc_sh):
    c = lax.axis_index("c")
    s = lax.axis_index("s")
    wid = c * 16 + s

    def zbody(i, carry):
        z_v[pl.ds(i * 16, 16)] = jnp.zeros((16,), jnp.float32)
        return carry
    lax.fori_loop(0, (ACC_PAD // 16) // 16, zbody, 0)
    pltpu.sync_copy(z_v, acc_sh.at[pl.ds(s * (ACC_PAD // 16), ACC_PAD // 16)])

    pltpu.sync_copy(idxi_hbm.at[wid], idxi_v)
    pltpu.sync_copy(idxj_hbm.at[wid], idxj_v)
    pltpu.sync_copy(len_hbm.at[wid], len_v)
    pltpu.sync_copy(q_hbm, q_v)

    def cbody(t, carry):
        j = t // 8
        col = (t % 8) * 16
        ii = idxi_v[j, pl.ds(col, 16)]
        jj = idxj_v[j, pl.ds(col, 16)]
        ll = len_v[j, pl.ds(col, 16)]
        qi = plsc.load_gather(q_v, [ii])
        qj = plsc.load_gather(q_v, [jj])
        tt = 1.0 / (1.0 + AS_P * ll)
        poly = tt * (AS_A1 + tt * (AS_A2 + tt * (AS_A3 + tt * (AS_A4 + tt * AS_A5))))
        erfc_v = poly * jnp.exp(-ll * ll)
        pv = KE_HALF * qi * qj * erfc_v / ll
        pv = jnp.where(ll <= R_CUTOFF, pv, jnp.zeros((16,), jnp.float32))
        vals_v[j, pl.ds(col, 16)] = pv
        return carry
    lax.fori_loop(0, EW_ROWS * 8, cbody, 0)

    plsc.subcore_barrier()

    def sbody(j, carry):
        pltpu.sync_copy(vals_v.at[j], acc_sh.at[idxi_v.at[j]], add=True)
        return carry
    lax.fori_loop(0, EW_ROWS, sbody, 0)

    plsc.subcore_barrier()

    @pl.when(s == 0)
    def _():
        pltpu.sync_copy(acc_sh, out_hbm.at[c])


def _real_space_sc(idxi3, idxj3, len3, q_pad):
    mesh = plsc.VectorSubcoreMesh(core_axis_name="c", subcore_axis_name="s")
    kfn = pl.kernel(
        _sc_real_body,
        mesh=mesh,
        compiler_params=pltpu.CompilerParams(needs_layout_passes=False),
        out_type=jax.ShapeDtypeStruct((2, ACC_PAD), jnp.float32),
        scratch_types=[
            pltpu.VMEM((EW_ROWS, 128), jnp.int32),
            pltpu.VMEM((EW_ROWS, 128), jnp.int32),
            pltpu.VMEM((EW_ROWS, 128), jnp.float32),
            pltpu.VMEM((EW_ROWS, 128), jnp.float32),
            pltpu.VMEM((N_PAD,), jnp.float32),
            pltpu.VMEM((ACC_PAD // 16,), jnp.float32),
            pltpu.VMEM_SHARED((ACC_PAD,), jnp.float32),
        ],
    )
    return kfn(idxi3, idxj3, len3, q_pad)



def _tc_passa_body(pos_ref, batch_ref, q_ref, km_ref, r2v_ref,
                   cos_ref, sin_ref, sf_ref, sfre_scr, sfim_scr):
    i = pl.program_id(0)

    @pl.when(i == 0)
    def _():
        sfre_scr[...] = jnp.zeros((B_STRUCT, K_PAD), jnp.float32)
        sfim_scr[...] = jnp.zeros((B_STRUCT, K_PAD), jnp.float32)

    pos = pos_ref[...]
    bidx = batch_ref[...]
    q = q_ref[...]
    onehot = (bidx == lax.broadcasted_iota(jnp.int32, (1, B_STRUCT), 1)
              ).astype(jnp.float32)
    rm = lax.dot_general(onehot, r2v_ref[...], (((1,), (0,)), ((), ())),
                         preferred_element_type=jnp.float32,
                         precision=lax.Precision.HIGHEST)
    px = pos[:, 0:1]
    py = pos[:, 1:2]
    pz = pos[:, 2:3]
    proj0 = px * rm[:, 0:1] + py * rm[:, 1:2] + pz * rm[:, 2:3]
    proj1 = px * rm[:, 3:4] + py * rm[:, 4:5] + pz * rm[:, 5:6]
    proj2 = px * rm[:, 6:7] + py * rm[:, 7:8] + pz * rm[:, 8:9]
    proj0 = proj0.astype(jnp.bfloat16).astype(jnp.float32)
    proj1 = proj1.astype(jnp.bfloat16).astype(jnp.float32)
    proj2 = proj2.astype(jnp.bfloat16).astype(jnp.float32)
    kr = (proj0 * km_ref[0:1, :] + proj1 * km_ref[1:2, :]
          + proj2 * km_ref[2:3, :])
    nred = jnp.round(kr * INV_TWO_PI)
    krr = ((kr - nred * TP_HI) - nred * TP_MID) - nred * TP_LO
    cos_kr = jnp.cos(krr)
    sin_kr = jnp.sin(krr)
    cos_ref[...] = cos_kr.astype(jnp.bfloat16)
    sin_ref[...] = sin_kr.astype(jnp.bfloat16)

    qoh = onehot * q
    sfre_scr[...] += lax.dot_general(
        qoh, cos_kr, (((0,), (0,)), ((), ())),
        preferred_element_type=jnp.float32,
        precision=lax.Precision.HIGHEST)
    sfim_scr[...] += lax.dot_general(
        qoh, sin_kr, (((0,), (0,)), ((), ())),
        preferred_element_type=jnp.float32,
        precision=lax.Precision.HIGHEST)

    @pl.when(i == NB - 1)
    def _():
        sf_ref[0, :, :] = sfre_scr[...]
        sf_ref[1, :, :] = sfim_scr[...]


def _tc_passb_body(cos_ref, sin_ref, sf_ref, batch_ref, q_ref, base_ref,
                   er_ref, km_ref, sym_ref, r2s_ref, vfac_ref,
                   out_ref, ac_scr):
    i = pl.program_id(0)

    @pl.when(i == 0)
    def _():
        km0 = km_ref[0:1, :]
        km1 = km_ref[1:2, :]
        km2 = km_ref[2:3, :]
        for b in range(B_STRUCT):
            kv0 = r2s_ref[b, 0] * km0 + r2s_ref[b, 3] * km1 + r2s_ref[b, 6] * km2
            kv1 = r2s_ref[b, 1] * km0 + r2s_ref[b, 4] * km1 + r2s_ref[b, 7] * km2
            kv2 = r2s_ref[b, 2] * km0 + r2s_ref[b, 5] * km1 + r2s_ref[b, 8] * km2
            ksq = kv0 * kv0 + kv1 * kv1 + kv2 * kv2
            kfac = jnp.where(ksq > 0.0,
                             jnp.exp(ksq * -0.25) / jnp.maximum(ksq, 1e-30),
                             jnp.zeros((1, K_PAD), jnp.float32))
            sfac_row = vfac_ref[b] * sym_ref[...] * kfac
            ac_scr[b:b + 1, :] = sfac_row * sf_ref[0, b:b + 1, :]
            ac_scr[B_STRUCT + b:B_STRUCT + b + 1, :] = \
                sfac_row * sf_ref[1, b:b + 1, :]

    bidx = batch_ref[...]
    q = q_ref[...]
    onehot = (bidx == lax.broadcasted_iota(jnp.int32, (1, B_STRUCT), 1)
              ).astype(jnp.float32)
    t_re = lax.dot_general(cos_ref[...], ac_scr[0:B_STRUCT, :].astype(jnp.bfloat16),
                           (((1,), (1,)), ((), ())),
                           preferred_element_type=jnp.float32)
    t_im = lax.dot_general(sin_ref[...], ac_scr[B_STRUCT:2 * B_STRUCT, :].astype(jnp.bfloat16),
                           (((1,), (1,)), ((), ())),
                           preferred_element_type=jnp.float32)
    per_atom = jnp.sum(onehot * (t_re + t_im), axis=1, keepdims=True)
    er = er_ref[:, 0:1] + er_ref[:, 1:2]
    out_ref[...] = (base_ref[...] + er + q * per_atom - SELF_COEF * q * q)


def _recip_tc(pos_p, batch_p, q_p, base_p, er_p, r2_flat, vfac):
    km_t = jnp.asarray(_KM_T)
    sym = jnp.asarray(_SYM_PAD)
    cos_a, sin_a, sf = pl.pallas_call(
        _tc_passa_body,
        grid=(NB,),
        in_specs=[
            pl.BlockSpec((BN, 3), lambda i: (i, 0)),
            pl.BlockSpec((BN, 1), lambda i: (i, 0)),
            pl.BlockSpec((BN, 1), lambda i: (i, 0)),
            pl.BlockSpec((3, K_PAD), lambda i: (0, 0)),
            pl.BlockSpec((B_STRUCT, 9), lambda i: (0, 0)),
        ],
        out_specs=[
            pl.BlockSpec((BN, K_PAD), lambda i: (i, 0)),
            pl.BlockSpec((BN, K_PAD), lambda i: (i, 0)),
            pl.BlockSpec((2, B_STRUCT, K_PAD), lambda i: (0, 0, 0)),
        ],
        out_shape=[
            jax.ShapeDtypeStruct((N_PAD, K_PAD), jnp.bfloat16),
            jax.ShapeDtypeStruct((N_PAD, K_PAD), jnp.bfloat16),
            jax.ShapeDtypeStruct((2, B_STRUCT, K_PAD), jnp.float32),
        ],
        scratch_shapes=[
            pltpu.VMEM((B_STRUCT, K_PAD), jnp.float32),
            pltpu.VMEM((B_STRUCT, K_PAD), jnp.float32),
        ],
    )(pos_p, batch_p, q_p, km_t, r2_flat)

    return pl.pallas_call(
        _tc_passb_body,
        grid=(NB,),
        in_specs=[
            pl.BlockSpec((BN, K_PAD), lambda i: (i, 0)),
            pl.BlockSpec((BN, K_PAD), lambda i: (i, 0)),
            pl.BlockSpec((2, B_STRUCT, K_PAD), lambda i: (0, 0, 0)),
            pl.BlockSpec((BN, 1), lambda i: (i, 0)),
            pl.BlockSpec((BN, 1), lambda i: (i, 0)),
            pl.BlockSpec((BN, 1), lambda i: (i, 0)),
            pl.BlockSpec((BN, 2), lambda i: (i, 0)),
            pl.BlockSpec((3, K_PAD), lambda i: (0, 0)),
            pl.BlockSpec((1, K_PAD), lambda i: (0, 0)),
            pl.BlockSpec(memory_space=pltpu.SMEM),
            pl.BlockSpec(memory_space=pltpu.SMEM),
        ],
        out_specs=pl.BlockSpec((BN, 1), lambda i: (i, 0)),
        out_shape=jax.ShapeDtypeStruct((N_PAD, 1), jnp.float32),
        scratch_shapes=[
            pltpu.VMEM((2 * B_STRUCT, K_PAD), jnp.float32),
        ],
    )(cos_a, sin_a, sf, batch_p, q_p, base_p, er_p, km_t, sym,
      r2_flat, vfac)


def _inv3x3_t(cell):
    a = cell
    c00 = a[:, 1, 1] * a[:, 2, 2] - a[:, 1, 2] * a[:, 2, 1]
    c01 = a[:, 1, 2] * a[:, 2, 0] - a[:, 1, 0] * a[:, 2, 2]
    c02 = a[:, 1, 0] * a[:, 2, 1] - a[:, 1, 1] * a[:, 2, 0]
    c10 = a[:, 0, 2] * a[:, 2, 1] - a[:, 0, 1] * a[:, 2, 2]
    c11 = a[:, 0, 0] * a[:, 2, 2] - a[:, 0, 2] * a[:, 2, 0]
    c12 = a[:, 0, 1] * a[:, 2, 0] - a[:, 0, 0] * a[:, 2, 1]
    c20 = a[:, 0, 1] * a[:, 1, 2] - a[:, 0, 2] * a[:, 1, 1]
    c21 = a[:, 0, 2] * a[:, 1, 0] - a[:, 0, 0] * a[:, 1, 2]
    c22 = a[:, 0, 0] * a[:, 1, 1] - a[:, 0, 1] * a[:, 1, 0]
    det = a[:, 0, 0] * c00 + a[:, 0, 1] * c01 + a[:, 0, 2] * c02
    cof = jnp.stack([
        jnp.stack([c00, c01, c02], axis=-1),
        jnp.stack([c10, c11, c12], axis=-1),
        jnp.stack([c20, c21, c22], axis=-1),
    ], axis=1)
    r2 = TWO_PI * cof / det[:, None, None]
    return r2, jnp.abs(det)


def kernel(positions, cell, lengths, partial_charges, atomic_energies,
           edge_index, batch, n_atoms):
    del n_atoms
    r2, absdet = _inv3x3_t(cell)
    r2_flat = r2.reshape(B_STRUCT, 9)
    vfac = KE * TWO_PI / absdet

    idxi = edge_index[0].astype(jnp.int32)
    idxj = edge_index[1].astype(jnp.int32)
    pad_e = E_PAD - E_EDGES
    idxi3 = jnp.pad(idxi, (0, pad_e)).reshape(NW, EW_ROWS, 128)
    idxj3 = jnp.pad(idxj, (0, pad_e)).reshape(NW, EW_ROWS, 128)
    len3 = jnp.pad(lengths, (0, pad_e), constant_values=1e9
                   ).reshape(NW, EW_ROWS, 128)
    q_pad = jnp.pad(partial_charges, (0, N_PAD - N_ATOMS))

    er = _real_space_sc(idxi3, idxj3, len3, q_pad)
    er_p = er.T

    pos_p = jnp.pad(positions, ((0, N_PAD - N_ATOMS), (0, 0)))
    batch_p = jnp.pad(batch.astype(jnp.int32), (0, N_PAD - N_ATOMS)
                      ).reshape(N_PAD, 1)
    q_p2 = q_pad.reshape(N_PAD, 1)
    base_p = jnp.pad(atomic_energies, (0, N_PAD - N_ATOMS)).reshape(N_PAD, 1)
    out = _recip_tc(pos_p, batch_p, q_p2, base_p, er_p, r2_flat, vfac)
    return out[:N_ATOMS, 0]

# --- scband reference (transcript-rebuilt; emitter-appended) ---
"""Pipeline reference for scband-ewald-electrostatic-energy-26534307955289 (READ-ONLY COPY).

The authoritative reference and input builder live on the scoring server;
editing this copy changes nothing except your own understanding.
"""

import jax, jax.numpy as jnp
import numpy as np
from jax.scipy.special import erfc

KE = 14.399645351950548
KE_HALF = KE / 2.0
ALPHA = 1.0
ALPHA_SQ = ALPHA ** 2
R_CUTOFF = 5.0
K_MAX = 10
TWO_PI = 2.0 * np.pi
SQRT_PI = float(np.sqrt(np.pi))


def _build_kmesh():
    k_idxs = np.arange(-K_MAX, K_MAX + 1).astype(np.float32)
    ku, kv, kw = np.meshgrid(k_idxs[K_MAX:], k_idxs, k_idxs, indexing='ij')
    km = np.stack([ku, kv, kw], axis=-1).reshape(-1, 3)
    ksq = (km ** 2).sum(-1)
    mask = (ksq > 0) & (ksq <= K_MAX ** 2)
    km = km[mask]
    sym = np.where(km[:, 0] == 0.0, 1.0, 2.0).astype(np.float32)
    return jnp.asarray(km, dtype=jnp.float32), jnp.asarray(sym, dtype=jnp.float32)

K_MESH, SYM_FACTOR = _build_kmesh()


def setup_inputs(seed: int = 0):
    key = jax.random.key(seed)
    ks = jax.random.split(key, 8)
    N, E, B = 10000, 640000, 16
    positions = jax.random.normal(ks[0], (N, 3), dtype=jnp.float32) * 5.0
    cell = jnp.eye(3, dtype=jnp.float32)[None] * 10.0 + jax.random.normal(ks[1], (B, 3, 3), dtype=jnp.float32) * 0.5
    edge_index = jax.random.randint(ks[2], (2, E), 0, N)
    lengths = 0.5 + 5.5 * jax.random.uniform(ks[3], (E,), dtype=jnp.float32)
    batch = jnp.sort(jax.random.randint(ks[4], (N,), 0, B))
    n_atoms = jax.random.randint(ks[5], (B,), 1, N)
    partial_charges = jax.random.normal(ks[6], (N,), dtype=jnp.float32)
    atomic_energies = jax.random.normal(ks[7], (N,), dtype=jnp.float32)
    return {"positions": positions, "cell": cell, "lengths": lengths, "partial_charges": partial_charges, "atomic_energies": atomic_energies, "edge_index": edge_index, "batch": batch, "n_atoms": n_atoms}


def reference(positions, cell, lengths, partial_charges, atomic_energies, edge_index, batch, n_atoms):
    N = partial_charges.shape[0]
    B = cell.shape[0]
    # ---- real-space term ----
    idx_i = edge_index[0]
    idx_j = edge_index[1]
    cutoff_mask = lengths <= R_CUTOFF
    fac = KE_HALF * partial_charges[idx_i] * partial_charges[idx_j]
    pairwise = fac * (1.0 / lengths) * erfc(ALPHA * lengths)
    pairwise = jnp.where(cutoff_mask, pairwise, 0.0)
    e_real = jax.ops.segment_sum(pairwise, idx_i, num_segments=N)
    # ---- reciprocal-space term ----
    recip_cell = jnp.transpose(jnp.linalg.inv(cell), (0, 2, 1))  # [B,3,3]
    kvec = jnp.einsum('ki,aij->akj', K_MESH, TWO_PI * recip_cell)  # [B,K,3]
    ksq = jnp.sum(kvec * kvec, axis=-1)  # [B,K]
    kfac = jnp.exp(-ksq / (4.0 * ALPHA_SQ)) / ksq  # [B,K]
    volume = jnp.abs(jnp.linalg.det(cell))  # [B]
    # k . r per atom, via fractional projection (avoids [N,K,3] intermediate)
    proj = jnp.einsum('nj,nij->ni', positions, TWO_PI * recip_cell[batch])  # [N,3]
    kr = proj @ K_MESH.T  # [N,K]
    cos_kr = jnp.cos(kr)
    sin_kr = jnp.sin(kr)
    q = partial_charges
    re_sf = jax.ops.segment_sum(q[:, None] * cos_kr, batch, num_segments=B)  # [B,K]
    im_sf = jax.ops.segment_sum(q[:, None] * sin_kr, batch, num_segments=B)  # [B,K]
    sfac = SYM_FACTOR[None, :] * kfac  # [B,K]
    per_atom = jnp.sum(sfac[batch] * (cos_kr * re_sf[batch] + sin_kr * im_sf[batch]), axis=-1)  # [N]
    e_recip = KE * (TWO_PI / volume[batch]) * q * per_atom - KE * ALPHA / SQRT_PI * q * q
    electrostatic_atomic_energies = e_real + e_recip
    return atomic_energies + electrostatic_atomic_energies

if __name__ == "__main__":
    import jax
    _d = setup_inputs()
    print(jax.jit(kernel)(*tuple(_d.values())))

</pallas_src>

<mosaic_0001>
#map = affine_map<(d0, d1) -> (0, 0, 0)>
#map1 = affine_map<(d0, d1) -> (0)>
#map2 = affine_map<(d0, d1) -> (0, 0)>
module attributes {stable_mosaic.version = 14 : i64} {
  func.func @_sc_real_body(%arg0: i32, %arg1: i32, %arg2: memref<32x157x128xi32, #tpu.memory_space<hbm>>, %arg3: memref<32x157x128xi32, #tpu.memory_space<hbm>>, %arg4: memref<32x157x128xf32, #tpu.memory_space<hbm>>, %arg5: memref<10240xf32, #tpu.memory_space<hbm>>, %arg6: memref<2x10240xf32, #tpu.memory_space<hbm>>, %arg7: memref<157x128xi32, #tpu.memory_space<vmem>>, %arg8: memref<157x128xi32, #tpu.memory_space<vmem>>, %arg9: memref<157x128xf32, #tpu.memory_space<vmem>>, %arg10: memref<157x128xf32, #tpu.memory_space<vmem>>, %arg11: memref<10240xf32, #tpu.memory_space<vmem>>, %arg12: memref<640xf32, #tpu.memory_space<vmem>>, %arg13: memref<10240xf32, #tpu.memory_space<vmem_shared>>) attributes {dimension_semantics = [#tpu.dimension_semantics<core_parallel>, #tpu.dimension_semantics<subcore_parallel>], iteration_bounds = array<i64: 2, 16>, scalar_prefetch = 0 : i64, scratch_operands = 7 : i64, tpu.core_type = #tpu.core_type<sc_vector_subcore>, window_params = [{transform_indices = #map}, {transform_indices = #map}, {transform_indices = #map}, {transform_indices = #map1}, {transform_indices = #map2}]} {
    %mul3A = arith.constant 16 : i32
    %mul3A_0 = arith.muli %arg0, %mul3A : i32
    %add3A = arith.addi %mul3A_0, %arg1 : i32
    %scan3A = arith.constant 0 : i32
    %scan3A_1 = arith.constant 0 : i32
    %scan3A_2 = arith.constant 40 : i32
    %scan3A_3 = arith.addi %scan3A_1, %scan3A_2 : i32
    %scan3A_4 = arith.constant 1 : i32
    scf.for %scan3A_23 = %scan3A_1 to %scan3A_3 step %scan3A_4  : i32 {
      %broadcast_in_dim3A = arith.constant 0.000000e+00 : f32
      %broadcast_in_dim3A_24 = vector.broadcast %broadcast_in_dim3A : f32 to vector<16xf32>
      %mul3A_25 = arith.constant 16 : i32
      %mul3A_26 = arith.muli %scan3A_23, %mul3A_25 : i32
      %swap3A = arith.index_cast %mul3A_26 : i32 to index
      %swap3A_27 = tpu.vector_load %arg12[%swap3A] {strides = array<i32>} : memref<640xf32, #tpu.memory_space<vmem>>, vector<16xf32>,
      tpu.vector_store %arg12[%swap3A], %broadcast_in_dim3A_24 {strides = array<i32>} : memref<640xf32, #tpu.memory_space<vmem>>, vector<16xf32>,
    }
    %scan3A_5 = arith.constant 40 : i32
    %mul3A_6 = arith.constant 640 : i32
    %mul3A_7 = arith.muli %arg1, %mul3A_6 : i32
    "tpu.region"() ({
      %run_scoped3A = tpu.sem_alloc : memref<!tpu.dma_semaphore, #tpu.memory_space<semaphore_mem>>
      %dma_start3A = tpu.memref_slice %arg13[%mul3A_7] : memref<10240xf32, #tpu.memory_space<vmem_shared>> -> memref<640xf32, #tpu.memory_space<vmem_shared>>
      %dma_start3A_23 = tpu.memref_slice %arg13[%mul3A_7] : memref<10240xf32, #tpu.memory_space<vmem_shared>> -> memref<640xf32, #tpu.memory_space<vmem_shared>>
      tpu.enqueue_dma source(%arg12 : memref<640xf32, #tpu.memory_space<vmem>>) target(%dma_start3A_23 : memref<640xf32, #tpu.memory_space<vmem_shared>>) target_semaphore(%run_scoped3A : memref<!tpu.dma_semaphore, #tpu.memory_space<semaphore_mem>>)
      %dma_wait3A = tpu.memref_slice %arg13[%mul3A_7] : memref<10240xf32, #tpu.memory_space<vmem_shared>> -> memref<640xf32, #tpu.memory_space<vmem_shared>>
      %dma_wait3A_24 = tpu.memref_slice %arg13[%mul3A_7] : memref<10240xf32, #tpu.memory_space<vmem_shared>> -> memref<640xf32, #tpu.memory_space<vmem_shared>>
      tpu.wait_dma2 semaphore(%run_scoped3A : memref<!tpu.dma_semaphore, #tpu.memory_space<semaphore_mem>>) src(%arg12 : memref<640xf32, #tpu.memory_space<vmem>>) dst(%dma_wait3A_24 : memref<640xf32, #tpu.memory_space<vmem_shared>>)
      tpu.yield
    }) : () -> ()
    "tpu.region"() ({
      %run_scoped3A = tpu.sem_alloc : memref<!tpu.dma_semaphore, #tpu.memory_space<semaphore_mem>>
      %dma_start3A = arith.constant 0 : i32
      %dma_start3A_23 = arith.constant 0 : i32
      %dma_start3A_24 = tpu.memref_slice %arg2[%add3A, %dma_start3A, %dma_start3A_23] : memref<32x157x128xi32, #tpu.memory_space<hbm>> -> memref<1x157x128xi32, #tpu.memory_space<hbm>>
      %dma_start3A_25 = tpu.memref_squeeze %dma_start3A_24 : memref<1x157x128xi32, #tpu.memory_space<hbm>> -> memref<157x128xi32, #tpu.memory_space<hbm>>
      %dma_start3A_26 = arith.constant 0 : i32
      %dma_start3A_27 = arith.constant 0 : i32
      %dma_start3A_28 = tpu.memref_slice %arg2[%add3A, %dma_start3A_26, %dma_start3A_27] : memref<32x157x128xi32, #tpu.memory_space<hbm>> -> memref<1x157x128xi32, #tpu.memory_space<hbm>>
      %dma_start3A_29 = tpu.memref_squeeze %dma_start3A_28 : memref<1x157x128xi32, #tpu.memory_space<hbm>> -> memref<157x128xi32, #tpu.memory_space<hbm>>
      tpu.enqueue_dma source(%dma_start3A_29 : memref<157x128xi32, #tpu.memory_space<hbm>>) target(%arg7 : memref<157x128xi32, #tpu.memory_space<vmem>>) target_semaphore(%run_scoped3A : memref<!tpu.dma_semaphore, #tpu.memory_space<semaphore_mem>>)
      %dma_wait3A = arith.constant 0 : i32
      %dma_wait3A_30 = arith.constant 0 : i32
      %dma_wait3A_31 = tpu.memref_slice %arg2[%add3A, %dma_wait3A, %dma_wait3A_30] : memref<32x157x128xi32, #tpu.memory_space<hbm>> -> memref<1x157x128xi32, #tpu.memory_space<hbm>>
      %dma_wait3A_32 = tpu.memref_squeeze %dma_wait3A_31 : memref<1x157x128xi32, #tpu.memory_space<hbm>> -> memref<157x128xi32, #tpu.memory_space<hbm>>
      %dma_wait3A_33 = arith.constant 0 : i32
      %dma_wait3A_34 = arith.constant 0 : i32
      %dma_wait3A_35 = tpu.memref_slice %arg2[%add3A, %dma_wait3A_33, %dma_wait3A_34] : memref<32x157x128xi32, #tpu.memory_space<hbm>> -> memref<1x157x128xi32, #tpu.memory_space<hbm>>
      %dma_wait3A_36 = tpu.memref_squeeze %dma_wait3A_35 : memref<1x157x128xi32, #tpu.memory_space<hbm>> -> memref<157x128xi32, #tpu.memory_space<hbm>>
      tpu.wait_dma2 semaphore(%run_scoped3A : memref<!tpu.dma_semaphore, #tpu.memory_space<semaphore_mem>>) src(%dma_wait3A_36 : memref<157x128xi32, #tpu.memory_space<hbm>>) dst(%arg7 : memref<157x128xi32, #tpu.memory_space<vmem>>)
      tpu.yield
    }) : () -> ()
    "tpu.region"() ({
      %run_scoped3A = tpu.sem_alloc : memref<!tpu.dma_semaphore, #tpu.memory_space<semaphore_mem>>
      %dma_start3A = arith.constant 0 : i32
      %dma_start3A_23 = arith.constant 0 : i32
      %dma_start3A_24 = tpu.memref_slice %arg3[%add3A, %dma_start3A, %dma_start3A_23] : memref<32x157x128xi32, #tpu.memory_space<hbm>> -> memref<1x157x128xi32, #tpu.memory_space<hbm>>
      %dma_start3A_25 = tpu.memref_squeeze %dma_start3A_24 : memref<1x157x128xi32, #tpu.memory_space<hbm>> -> memref<157x128xi32, #tpu.memory_space<hbm>>
      %dma_start3A_26 = arith.constant 0 : i32
      %dma_start3A_27 = arith.constant 0 : i32
      %dma_start3A_28 = tpu.memref_slice %arg3[%add3A, %dma_start3A_26, %dma_start3A_27] : memref<32x157x128xi32, #tpu.memory_space<hbm>> -> memref<1x157x128xi32, #tpu.memory_space<hbm>>
      %dma_start3A_29 = tpu.memref_squeeze %dma_start3A_28 : memref<1x157x128xi32, #tpu.memory_space<hbm>> -> memref<157x128xi32, #tpu.memory_space<hbm>>
      tpu.enqueue_dma source(%dma_start3A_29 : memref<157x128xi32, #tpu.memory_space<hbm>>) target(%arg8 : memref<157x128xi32, #tpu.memory_space<vmem>>) target_semaphore(%run_scoped3A : memref<!tpu.dma_semaphore, #tpu.memory_space<semaphore_mem>>)
      %dma_wait3A = arith.constant 0 : i32
      %dma_wait3A_30 = arith.constant 0 : i32
      %dma_wait3A_31 = tpu.memref_slice %arg3[%add3A, %dma_wait3A, %dma_wait3A_30] : memref<32x157x128xi32, #tpu.memory_space<hbm>> -> memref<1x157x128xi32, #tpu.memory_space<hbm>>
      %dma_wait3A_32 = tpu.memref_squeeze %dma_wait3A_31 : memref<1x157x128xi32, #tpu.memory_space<hbm>> -> memref<157x128xi32, #tpu.memory_space<hbm>>
      %dma_wait3A_33 = arith.constant 0 : i32
      %dma_wait3A_34 = arith.constant 0 : i32
      %dma_wait3A_35 = tpu.memref_slice %arg3[%add3A, %dma_wait3A_33, %dma_wait3A_34] : memref<32x157x128xi32, #tpu.memory_space<hbm>> -> memref<1x157x128xi32, #tpu.memory_space<hbm>>
      %dma_wait3A_36 = tpu.memref_squeeze %dma_wait3A_35 : memref<1x157x128xi32, #tpu.memory_space<hbm>> -> memref<157x128xi32, #tpu.memory_space<hbm>>
      tpu.wait_dma2 semaphore(%run_scoped3A : memref<!tpu.dma_semaphore, #tpu.memory_space<semaphore_mem>>) src(%dma_wait3A_36 : memref<157x128xi32, #tpu.memory_space<hbm>>) dst(%arg8 : memref<157x128xi32, #tpu.memory_space<vmem>>)
      tpu.yield
    }) : () -> ()
    "tpu.region"() ({
      %run_scoped3A = tpu.sem_alloc : memref<!tpu.dma_semaphore, #tpu.memory_space<semaphore_mem>>
      %dma_start3A = arith.constant 0 : i32
      %dma_start3A_23 = arith.constant 0 : i32
      %dma_start3A_24 = tpu.memref_slice %arg4[%add3A, %dma_start3A, %dma_start3A_23] : memref<32x157x128xf32, #tpu.memory_space<hbm>> -> memref<1x157x128xf32, #tpu.memory_space<hbm>>
      %dma_start3A_25 = tpu.memref_squeeze %dma_start3A_24 : memref<1x157x128xf32, #tpu.memory_space<hbm>> -> memref<157x128xf32, #tpu.memory_space<hbm>>
      %dma_start3A_26 = arith.constant 0 : i32
      %dma_start3A_27 = arith.constant 0 : i32
      %dma_start3A_28 = tpu.memref_slice %arg4[%add3A, %dma_start3A_26, %dma_start3A_27] : memref<32x157x128xf32, #tpu.memory_space<hbm>> -> memref<1x157x128xf32, #tpu.memory_space<hbm>>
      %dma_start3A_29 = tpu.memref_squeeze %dma_start3A_28 : memref<1x157x128xf32, #tpu.memory_space<hbm>> -> memref<157x128xf32, #tpu.memory_space<hbm>>
      tpu.enqueue_dma source(%dma_start3A_29 : memref<157x128xf32, #tpu.memory_space<hbm>>) target(%arg9 : memref<157x128xf32, #tpu.memory_space<vmem>>) target_semaphore(%run_scoped3A : memref<!tpu.dma_semaphore, #tpu.memory_space<semaphore_mem>>)
      %dma_wait3A = arith.constant 0 : i32
      %dma_wait3A_30 = arith.constant 0 : i32
      %dma_wait3A_31 = tpu.memref_slice %arg4[%add3A, %dma_wait3A, %dma_wait3A_30] : memref<32x157x128xf32, #tpu.memory_space<hbm>> -> memref<1x157x128xf32, #tpu.memory_space<hbm>>
      %dma_wait3A_32 = tpu.memref_squeeze %dma_wait3A_31 : memref<1x157x128xf32, #tpu.memory_space<hbm>> -> memref<157x128xf32, #tpu.memory_space<hbm>>
      %dma_wait3A_33 = arith.constant 0 : i32
      %dma_wait3A_34 = arith.constant 0 : i32
      %dma_wait3A_35 = tpu.memref_slice %arg4[%add3A, %dma_wait3A_33, %dma_wait3A_34] : memref<32x157x128xf32, #tpu.memory_space<hbm>> -> memref<1x157x128xf32, #tpu.memory_space<hbm>>
      %dma_wait3A_36 = tpu.memref_squeeze %dma_wait3A_35 : memref<1x157x128xf32, #tpu.memory_space<hbm>> -> memref<157x128xf32, #tpu.memory_space<hbm>>
      tpu.wait_dma2 semaphore(%run_scoped3A : memref<!tpu.dma_semaphore, #tpu.memory_space<semaphore_mem>>) src(%dma_wait3A_36 : memref<157x128xf32, #tpu.memory_space<hbm>>) dst(%arg9 : memref<157x128xf32, #tpu.memory_space<vmem>>)
      tpu.yield
    }) : () -> ()
    "tpu.region"() ({
      %run_scoped3A = tpu.sem_alloc : memref<!tpu.dma_semaphore, #tpu.memory_space<semaphore_mem>>
      tpu.enqueue_dma source(%arg5 : memref<10240xf32, #tpu.memory_space<hbm>>) target(%arg11 : memref<10240xf32, #tpu.memory_space<vmem>>) target_semaphore(%run_scoped3A : memref<!tpu.dma_semaphore, #tpu.memory_space<semaphore_mem>>)
      tpu.wait_dma2 semaphore(%run_scoped3A : memref<!tpu.dma_semaphore, #tpu.memory_space<semaphore_mem>>) src(%arg5 : memref<10240xf32, #tpu.memory_space<hbm>>) dst(%arg11 : memref<10240xf32, #tpu.memory_space<vmem>>)
      tpu.yield
    }) : () -> ()
    %scan3A_8 = arith.constant 0 : i32
    %scan3A_9 = arith.constant 0 : i32
    %scan3A_10 = arith.constant 1256 : i32
    %scan3A_11 = arith.addi %scan3A_9, %scan3A_10 : i32
    %scan3A_12 = arith.constant 1 : i32
    scf.for %scan3A_23 = %scan3A_9 to %scan3A_11 step %scan3A_12  : i32 {
      %jit3A = arith.constant 8 : i32
      %div3A = arith.divsi %scan3A_23, %jit3A : i32
      %sign3A = arith.constant 0 : i32
      %sign3A_24 = arith.cmpi sgt, %scan3A_23, %sign3A : i32
      %sign3A_25 = arith.extui %sign3A_24 : i1 to i32
      %sign3A_26 = arith.constant 0 : i32
      %sign3A_27 = arith.cmpi slt, %scan3A_23, %sign3A_26 : i32
      %sign3A_28 = arith.extui %sign3A_27 : i1 to i32
      %sign3A_29 = arith.subi %sign3A_25, %sign3A_28 : i32
      %sign3A_30 = arith.constant 0 : i32
      %sign3A_31 = arith.cmpi sgt, %jit3A, %sign3A_30 : i32
      %sign3A_32 = arith.extui %sign3A_31 : i1 to i32
      %sign3A_33 = arith.constant 0 : i32
      %sign3A_34 = arith.cmpi slt, %jit3A, %sign3A_33 : i32
      %sign3A_35 = arith.extui %sign3A_34 : i1 to i32
      %sign3A_36 = arith.subi %sign3A_32, %sign3A_35 : i32
      %ne3A = arith.cmpi ne, %sign3A_29, %sign3A_36 : i32
      %rem3A = arith.remsi %scan3A_23, %jit3A : i32
      %ne3A_37 = arith.constant 0 : i32
      %ne3A_38 = arith.cmpi ne, %rem3A, %ne3A_37 : i32
      %and3A = arith.andi %ne3A, %ne3A_38 : i1
      %sub3A = arith.constant 1 : i32
      %sub3A_39 = arith.subi %div3A, %sub3A : i32
      %select_n3A = arith.select %and3A, %sub3A_39, %div3A : i32
      %jit3A_40 = arith.constant 8 : i32
      %eq3A_41 = arith.constant 0 : i32
      %eq3A_42 = arith.cmpi eq, %jit3A_40, %eq3A_41 : i32
      %jit3A_43 = arith.constant 1 : i32
      %select_n3A_44 = arith.select %eq3A_42, %jit3A_43, %jit3A_40 : i32
      %rem3A_45 = arith.remsi %scan3A_23, %select_n3A_44 : i32
      %ne3A_46 = arith.constant 0 : i32
      %ne3A_47 = arith.cmpi ne, %rem3A_45, %ne3A_46 : i32
      %lt3A = arith.constant 0 : i32
      %lt3A_48 = arith.cmpi slt, %rem3A_45, %lt3A : i32
      %lt3A_49 = arith.constant 0 : i32
      %lt3A_50 = arith.cmpi slt, %select_n3A_44, %lt3A_49 : i32
      %ne3A_51 = arith.xori %lt3A_48, %lt3A_50 : i1
      %and3A_52 = arith.andi %ne3A_51, %ne3A_47 : i1
      %add3A_53 = arith.addi %rem3A_45, %select_n3A_44 : i32
      %select_n3A_54 = arith.select %and3A_52, %add3A_53, %rem3A_45 : i32
      %mul3A_55 = arith.constant 16 : i32
      %mul3A_56 = arith.muli %select_n3A_54, %mul3A_55 : i32
      %get3A = arith.index_cast %select_n3A : i32 to index
      %get3A_57 = arith.index_cast %mul3A_56 : i32 to index
      %get3A_58 = tpu.vector_load %arg7[%get3A, %get3A_57] {strides = array<i32>} : memref<157x128xi32, #tpu.memory_space<vmem>>, vector<16xi32>,
      %get3A_59 = arith.index_cast %select_n3A : i32 to index
      %get3A_60 = arith.index_cast %mul3A_56 : i32 to index
      %get3A_61 = tpu.vector_load %arg8[%get3A_59, %get3A_60] {strides = array<i32>} : memref<157x128xi32, #tpu.memory_space<vmem>>, vector<16xi32>,
      %get3A_62 = arith.index_cast %select_n3A : i32 to index
      %get3A_63 = arith.index_cast %mul3A_56 : i32 to index
      %get3A_64 = tpu.vector_load %arg9[%get3A_62, %get3A_63] {strides = array<i32>} : memref<157x128xf32, #tpu.memory_space<vmem>>, vector<16xf32>,
      %gather3A = tpu.vector_load_idx %arg11[%get3A_58] : memref<10240xf32, #tpu.memory_space<vmem>>[vector<16xi32>], vector<16xf32>,
      %gather3A_65 = tpu.vector_load_idx %arg11[%get3A_61] : memref<10240xf32, #tpu.memory_space<vmem>>[vector<16xi32>], vector<16xf32>,
      %mul3A_66 = arith.constant 0.327591091 : f32
      %mul3A_67 = vector.broadcast %mul3A_66 : f32 to vector<16xf32>
      %mul3A_68 = arith.mulf %mul3A_67, %get3A_64 : vector<16xf32>
      %add3A_69 = arith.constant 1.000000e+00 : f32
      %add3A_70 = vector.broadcast %add3A_69 : f32 to vector<16xf32>
      %add3A_71 = arith.addf %add3A_70, %mul3A_68 : vector<16xf32>
      %div3A_72 = arith.constant 1.000000e+00 : f32
      %div3A_73 = vector.broadcast %div3A_72 : f32 to vector<16xf32>
      %div3A_74 = arith.divf %div3A_73, %add3A_71 : vector<16xf32>
      %mul3A_75 = arith.constant 1.06140542 : f32
      %mul3A_76 = vector.broadcast %mul3A_75 : f32 to vector<16xf32>
      %mul3A_77 = arith.mulf %div3A_74, %mul3A_76 : vector<16xf32>
      %add3A_78 = arith.constant -1.45315206 : f32
      %add3A_79 = vector.broadcast %add3A_78 : f32 to vector<16xf32>
      %add3A_80 = arith.addf %add3A_79, %mul3A_77 : vector<16xf32>
      %mul3A_81 = arith.mulf %div3A_74, %add3A_80 : vector<16xf32>
      %add3A_82 = arith.constant 1.42141378 : f32
      %add3A_83 = vector.broadcast %add3A_82 : f32 to vector<16xf32>
      %add3A_84 = arith.addf %add3A_83, %mul3A_81 : vector<16xf32>
      %mul3A_85 = arith.mulf %div3A_74, %add3A_84 : vector<16xf32>
      %add3A_86 = arith.constant -0.284496725 : f32
      %add3A_87 = vector.broadcast %add3A_86 : f32 to vector<16xf32>
      %add3A_88 = arith.addf %add3A_87, %mul3A_85 : vector<16xf32>
      %mul3A_89 = arith.mulf %div3A_74, %add3A_88 : vector<16xf32>
      %add3A_90 = arith.constant 0.254829586 : f32
      %add3A_91 = vector.broadcast %add3A_90 : f32 to vector<16xf32>
      %add3A_92 = arith.addf %add3A_91, %mul3A_89 : vector<16xf32>
      %mul3A_93 = arith.mulf %div3A_74, %add3A_92 : vector<16xf32>
      %neg3A = arith.constant 0.000000e+00 : f32
      %neg3A_94 = vector.broadcast %neg3A : f32 to vector<16xf32>
      %neg3A_95 = arith.subf %neg3A_94, %get3A_64 : vector<16xf32>
      %mul3A_96 = arith.mulf %neg3A_95, %get3A_64 : vector<16xf32>
      %exp3A = math.exp %mul3A_96 : vector<16xf32>
      %mul3A_97 = arith.mulf %mul3A_93, %exp3A : vector<16xf32>
      %mul3A_98 = arith.constant 7.1998229 : f32
      %mul3A_99 = vector.broadcast %mul3A_98 : f32 to vector<16xf32>
      %mul3A_100 = arith.mulf %mul3A_99, %gather3A : vector<16xf32>
      %mul3A_101 = arith.mulf %mul3A_100, %gather3A_65 : vector<16xf32>
      %mul3A_102 = arith.mulf %mul3A_101, %mul3A_97 : vector<16xf32>
      %div3A_103 = arith.divf %mul3A_102, %get3A_64 : vector<16xf32>
      %le3A = arith.constant 5.000000e+00 : f32
      %le3A_104 = vector.broadcast %le3A : f32 to vector<16xf32>
      %le3A_105 = arith.cmpf ole, %get3A_64, %le3A_104 : vector<16xf32>
      %broadcast_in_dim3A = arith.constant 0.000000e+00 : f32
      %broadcast_in_dim3A_106 = vector.broadcast %broadcast_in_dim3A : f32 to vector<16xf32>
      %select_n3A_107 = arith.select %le3A_105, %div3A_103, %broadcast_in_dim3A_106 : vector<16xi1>, vector<16xf32>
      %swap3A = arith.index_cast %select_n3A : i32 to index
      %swap3A_108 = arith.index_cast %mul3A_56 : i32 to index
      %swap3A_109 = tpu.vector_load %arg10[%swap3A, %swap3A_108] {strides = array<i32>} : memref<157x128xf32, #tpu.memory_space<vmem>>, vector<16xf32>,
      tpu.vector_store %arg10[%swap3A, %swap3A_108], %select_n3A_107 {strides = array<i32>} : memref<157x128xf32, #tpu.memory_space<vmem>>, vector<16xf32>,
    }
    %scan3A_13 = arith.constant 1256 : i32
    %barrier3A = arith.constant 0 : index
    tpu.barrier barrier_id(%barrier3A)
    %scan3A_14 = arith.constant 0 : i32
    %scan3A_15 = arith.constant 0 : i32
    %scan3A_16 = arith.constant 157 : i32
    %scan3A_17 = arith.addi %scan3A_15, %scan3A_16 : i32
    %scan3A_18 = arith.constant 1 : i32
    scf.for %scan3A_23 = %scan3A_15 to %scan3A_17 step %scan3A_18  : i32 {
      "tpu.region"() ({
        %run_scoped3A = tpu.sem_alloc : memref<!tpu.dma_semaphore, #tpu.memory_space<semaphore_mem>>
        %dma_start3A = arith.constant 0 : i32
        %dma_start3A_24 = tpu.memref_slice %arg10[%scan3A_23, %dma_start3A] : memref<157x128xf32, #tpu.memory_space<vmem>> -> memref<1x128xf32, #tpu.memory_space<vmem>>
        %dma_start3A_25 = tpu.memref_squeeze %dma_start3A_24 : memref<1x128xf32, #tpu.memory_space<vmem>> -> memref<128xf32, #tpu.memory_space<vmem>>
        %dma_start3A_26 = arith.constant 0 : i32
        %dma_start3A_27 = tpu.memref_slice %arg7[%scan3A_23, %dma_start3A_26] : memref<157x128xi32, #tpu.memory_space<vmem>> -> memref<1x128xi32, #tpu.memory_space<vmem>>
        %dma_start3A_28 = tpu.memref_squeeze %dma_start3A_27 : memref<1x128xi32, #tpu.memory_space<vmem>> -> memref<128xi32, #tpu.memory_space<vmem>>
        %dma_start3A_29 = arith.constant 0 : i32
        %dma_start3A_30 = tpu.memref_slice %arg13[%dma_start3A_29] : memref<10240xf32, #tpu.memory_space<vmem_shared>> -> memref<10240xf32, #tpu.memory_space<vmem_shared>>
        tpu.enqueue_indirect_dma source(%dma_start3A_25 : memref<128xf32, #tpu.memory_space<vmem>>) target(%dma_start3A_30 : memref<10240xf32, #tpu.memory_space<vmem_shared>>) offsets(%dma_start3A_28 : memref<128xi32, #tpu.memory_space<vmem>>) semaphore(%run_scoped3A : memref<!tpu.dma_semaphore, #tpu.memory_space<semaphore_mem>>) {add = true}
        %dma_wait3A = arith.constant 0 : i32
        %dma_wait3A_31 = tpu.memref_slice %arg10[%scan3A_23, %dma_wait3A] : memref<157x128xf32, #tpu.memory_space<vmem>> -> memref<1x128xf32, #tpu.memory_space<vmem>>
        %dma_wait3A_32 = tpu.memref_squeeze %dma_wait3A_31 : memref<1x128xf32, #tpu.memory_space<vmem>> -> memref<128xf32, #tpu.memory_space<vmem>>
        %dma_wait3A_33 = arith.constant 0 : i32
        %dma_wait3A_34 = tpu.memref_slice %arg7[%scan3A_23, %dma_wait3A_33] : memref<157x128xi32, #tpu.memory_space<vmem>> -> memref<1x128xi32, #tpu.memory_space<vmem>>
        %dma_wait3A_35 = tpu.memref_squeeze %dma_wait3A_34 : memref<1x128xi32, #tpu.memory_space<vmem>> -> memref<128xi32, #tpu.memory_space<vmem>>
        %dma_wait3A_36 = arith.constant 0 : i32
        %dma_wait3A_37 = tpu.memref_slice %arg13[%dma_wait3A_36] : memref<10240xf32, #tpu.memory_space<vmem_shared>> -> memref<10240xf32, #tpu.memory_space<vmem_shared>>
        tpu.wait_indirect_dma semaphore(%run_scoped3A : memref<!tpu.dma_semaphore, #tpu.memory_space<semaphore_mem>>) src(%dma_wait3A_32 : memref<128xf32, #tpu.memory_space<vmem>>) dst(%dma_wait3A_37 : memref<10240xf32, #tpu.memory_space<vmem_shared>>)
        tpu.yield
      }) : () -> ()
    }
    %scan3A_19 = arith.constant 157 : i32
    %barrier3A_20 = arith.constant 0 : index
    tpu.barrier barrier_id(%barrier3A_20)
    %eq3A = arith.constant 0 : i32
    %eq3A_21 = arith.cmpi eq, %arg1, %eq3A : i32
    %convert_element_type3A = arith.extui %eq3A_21 : i1 to i32
    %cond3A = arith.constant 0 : i32
    %cond3A_22 = arith.cmpi ne, %convert_element_type3A, %cond3A : i32
    scf.if %cond3A_22 {
      "tpu.region"() ({
        %run_scoped3A = tpu.sem_alloc : memref<!tpu.dma_semaphore, #tpu.memory_space<semaphore_mem>>
        %dma_start3A = arith.constant 0 : i32
        %dma_start3A_23 = tpu.memref_slice %arg6[%arg0, %dma_start3A] : memref<2x10240xf32, #tpu.memory_space<hbm>> -> memref<1x10240xf32, #tpu.memory_space<hbm>>
        %dma_start3A_24 = tpu.memref_squeeze %dma_start3A_23 : memref<1x10240xf32, #tpu.memory_space<hbm>> -> memref<10240xf32, #tpu.memory_space<hbm>>
        tpu.enqueue_dma source(%arg13 : memref<10240xf32, #tpu.memory_space<vmem_shared>>) target(%dma_start3A_24 : memref<10240xf32, #tpu.memory_space<hbm>>) target_semaphore(%run_scoped3A : memref<!tpu.dma_semaphore, #tpu.memory_space<semaphore_mem>>)
        %dma_wait3A = arith.constant 0 : i32
        %dma_wait3A_25 = tpu.memref_slice %arg6[%arg0, %dma_wait3A] : memref<2x10240xf32, #tpu.memory_space<hbm>> -> memref<1x10240xf32, #tpu.memory_space<hbm>>
        %dma_wait3A_26 = tpu.memref_squeeze %dma_wait3A_25 : memref<1x10240xf32, #tpu.memory_space<hbm>> -> memref<10240xf32, #tpu.memory_space<hbm>>
        tpu.wait_dma2 semaphore(%run_scoped3A : memref<!tpu.dma_semaphore, #tpu.memory_space<semaphore_mem>>) src(%arg13 : memref<10240xf32, #tpu.memory_space<vmem_shared>>) dst(%dma_wait3A_26 : memref<10240xf32, #tpu.memory_space<hbm>>)
        tpu.yield
      }) : () -> ()
    } else {
    }
    return
  }
}

module attributes {stable_mosaic.version = 14 : i64} {
  func.func @_tc_passa_body(%arg0: i32, %arg1: memref<512x3xf32, #tpu.memory_space<vmem>>, %arg2: memref<512x1xi32, #tpu.memory_space<vmem>>, %arg3: memref<512x1xf32, #tpu.memory_space<vmem>>, %arg4: memref<3x2304xf32, #tpu.memory_space<vmem>>, %arg5: memref<16x9xf32, #tpu.memory_space<vmem>>, %arg6: memref<512x2304xbf16, #tpu.memory_space<vmem>>, %arg7: memref<512x2304xbf16, #tpu.memory_space<vmem>>, %arg8: memref<2x16x2304xf32, #tpu.memory_space<vmem>>, %arg9: memref<16x2304xf32, #tpu.memory_space<vmem>>, %arg10: memref<16x2304xf32, #tpu.memory_space<vmem>>) attributes {dimension_semantics = [#tpu.dimension_semantics<arbitrary>], iteration_bounds = array<i64: 20>, scalar_prefetch = 0 : i64, scratch_operands = 2 : i64, tpu.core_type = #tpu.core_type<tc>, window_params = [{transform_indices = @transform_0, window_bounds = array<i64: 512, 3>}, {transform_indices = @transform_1, window_bounds = array<i64: 512, 1>}, {transform_indices = @transform_2, window_bounds = array<i64: 512, 1>}, {pipeline_mode = #tpu.pipeline_mode<synchronous>, transform_indices = @transform_3, window_bounds = array<i64: 3, 2304>}, {pipeline_mode = #tpu.pipeline_mode<synchronous>, transform_indices = @transform_4, window_bounds = array<i64: 16, 9>}, {transform_indices = @transform_5, window_bounds = array<i64: 512, 2304>}, {transform_indices = @transform_6, window_bounds = array<i64: 512, 2304>}, {pipeline_mode = #tpu.pipeline_mode<synchronous>, transform_indices = @transform_7, window_bounds = array<i64: 2, 16, 2304>}]} {
    %eq3A = arith.constant 0 : i32
    %eq3A_0 = arith.cmpi eq, %arg0, %eq3A : i32
    %convert_element_type3A = arith.extui %eq3A_0 : i1 to i32
    %cond3A = arith.constant 0 : i32
    %cond3A_1 = arith.cmpi ne, %convert_element_type3A, %cond3A : i32
    scf.if %cond3A_1 {
      %broadcast_in_dim3A = arith.constant 0.000000e+00 : f32
      %broadcast_in_dim3A_115 = vector.broadcast %broadcast_in_dim3A : f32 to vector<16x2304xf32>
      %swap3A_116 = arith.constant 0 : index
      %swap3A_117 = arith.constant 0 : index
      %swap3A_118 = vector.load %arg9[%swap3A_116, %swap3A_117] : memref<16x2304xf32, #tpu.memory_space<vmem>>, vector<16x2304xf32>
      tpu.vector_store %arg9[%swap3A_116, %swap3A_117], %broadcast_in_dim3A_115 {strides = array<i32>} : memref<16x2304xf32, #tpu.memory_space<vmem>>, vector<16x2304xf32>,
      %broadcast_in_dim3A_119 = arith.constant 0.000000e+00 : f32
      %broadcast_in_dim3A_120 = vector.broadcast %broadcast_in_dim3A_119 : f32 to vector<16x2304xf32>
      %swap3A_121 = arith.constant 0 : index
      %swap3A_122 = arith.constant 0 : index
      %swap3A_123 = vector.load %arg10[%swap3A_121, %swap3A_122] : memref<16x2304xf32, #tpu.memory_space<vmem>>, vector<16x2304xf32>
      tpu.vector_store %arg10[%swap3A_121, %swap3A_122], %broadcast_in_dim3A_120 {strides = array<i32>} : memref<16x2304xf32, #tpu.memory_space<vmem>>, vector<16x2304xf32>,
    } else {
    }
    %get3A = arith.constant 0 : index
    %get3A_2 = arith.constant 0 : index
    %get3A_3 = vector.load %arg1[%get3A, %get3A_2] : memref<512x3xf32, #tpu.memory_space<vmem>>, vector<512x3xf32>
    %get3A_4 = arith.constant 0 : index
    %get3A_5 = arith.constant 0 : index
    %get3A_6 = vector.load %arg2[%get3A_4, %get3A_5] : memref<512x1xi32, #tpu.memory_space<vmem>>, vector<512x1xi32>
    %get3A_7 = arith.constant 0 : index
    %get3A_8 = arith.constant 0 : index
    %get3A_9 = vector.load %arg3[%get3A_7, %get3A_8] : memref<512x1xf32, #tpu.memory_space<vmem>>, vector<512x1xf32>
    %iota3A = tpu.iota {dimensions = array<i32: 1>} : vector<1x16xi32>
    %eq3A_10 = vector.broadcast %get3A_6 : vector<512x1xi32> to vector<512x16xi32>
    %eq3A_11 = vector.broadcast %iota3A : vector<1x16xi32> to vector<512x16xi32>
    %eq3A_12 = arith.cmpi eq, %eq3A_10, %eq3A_11 : vector<512x16xi32>
    %convert_element_type3A_13 = arith.extui %eq3A_12 : vector<512x16xi1> to vector<512x16xi32>
    %convert_element_type3A_14 = arith.sitofp %convert_element_type3A_13 : vector<512x16xi32> to vector<512x16xf32>
    %get3A_15 = arith.constant 0 : index
    %get3A_16 = arith.constant 0 : index
    %get3A_17 = vector.load %arg5[%get3A_15, %get3A_16] : memref<16x9xf32, #tpu.memory_space<vmem>>, vector<16x9xf32>
    %dot_general3A = arith.constant dense<0.000000e+00> : vector<512x9xf32>
    %dot_general3A_18 = tpu.matmul %convert_element_type3A_14, %get3A_17, %dot_general3A {dimension_numbers = #tpu.dot_dimension_numbers<[1], [0], [0], [1], [0, 0, 1, 1], [], []>, precision = #tpu.contract_precision<fp32>, transpose_lhs_hint = false} : vector<512x16xf32>, vector<16x9xf32>, vector<512x9xf32> -> vector<512x9xf32>
    %slice3A = vector.extract_strided_slice %get3A_3 {offsets = [0, 0], sizes = [512, 1], strides = [1, 1]} : vector<512x3xf32> to vector<512x1xf32>
    %slice3A_19 = vector.extract_strided_slice %get3A_3 {offsets = [0, 1], sizes = [512, 1], strides = [1, 1]} : vector<512x3xf32> to vector<512x1xf32>
    %slice3A_20 = vector.extract_strided_slice %get3A_3 {offsets = [0, 2], sizes = [512, 1], strides = [1, 1]} : vector<512x3xf32> to vector<512x1xf32>
    %slice3A_21 = vector.extract_strided_slice %dot_general3A_18 {offsets = [0, 0], sizes = [512, 1], strides = [1, 1]} : vector<512x9xf32> to vector<512x1xf32>
    %mul3A = arith.mulf %slice3A, %slice3A_21 : vector<512x1xf32>
    %slice3A_22 = vector.extract_strided_slice %dot_general3A_18 {offsets = [0, 1], sizes = [512, 1], strides = [1, 1]} : vector<512x9xf32> to vector<512x1xf32>
    %mul3A_23 = arith.mulf %slice3A_19, %slice3A_22 : vector<512x1xf32>
    %add3A = arith.addf %mul3A, %mul3A_23 : vector<512x1xf32>
    %slice3A_24 = vector.extract_strided_slice %dot_general3A_18 {offsets = [0, 2], sizes = [512, 1], strides = [1, 1]} : vector<512x9xf32> to vector<512x1xf32>
    %mul3A_25 = arith.mulf %slice3A_20, %slice3A_24 : vector<512x1xf32>
    %add3A_26 = arith.addf %add3A, %mul3A_25 : vector<512x1xf32>
    %slice3A_27 = vector.extract_strided_slice %dot_general3A_18 {offsets = [0, 3], sizes = [512, 1], strides = [1, 1]} : vector<512x9xf32> to vector<512x1xf32>
    %mul3A_28 = arith.mulf %slice3A, %slice3A_27 : vector<512x1xf32>
    %slice3A_29 = vector.extract_strided_slice %dot_general3A_18 {offsets = [0, 4], sizes = [512, 1], strides = [1, 1]} : vector<512x9xf32> to vector<512x1xf32>
    %mul3A_30 = arith.mulf %slice3A_19, %slice3A_29 : vector<512x1xf32>
    %add3A_31 = arith.addf %mul3A_28, %mul3A_30 : vector<512x1xf32>
    %slice3A_32 = vector.extract_strided_slice %dot_general3A_18 {offsets = [0, 5], sizes = [512, 1], strides = [1, 1]} : vector<512x9xf32> to vector<512x1xf32>
    %mul3A_33 = arith.mulf %slice3A_20, %slice3A_32 : vector<512x1xf32>
    %add3A_34 = arith.addf %add3A_31, %mul3A_33 : vector<512x1xf32>
    %slice3A_35 = vector.extract_strided_slice %dot_general3A_18 {offsets = [0, 6], sizes = [512, 1], strides = [1, 1]} : vector<512x9xf32> to vector<512x1xf32>
    %mul3A_36 = arith.mulf %slice3A, %slice3A_35 : vector<512x1xf32>
    %slice3A_37 = vector.extract_strided_slice %dot_general3A_18 {offsets = [0, 7], sizes = [512, 1], strides = [1, 1]} : vector<512x9xf32> to vector<512x1xf32>
    %mul3A_38 = arith.mulf %slice3A_19, %slice3A_37 : vector<512x1xf32>
    %add3A_39 = arith.addf %mul3A_36, %mul3A_38 : vector<512x1xf32>
    %slice3A_40 = vector.extract_strided_slice %dot_general3A_18 {offsets = [0, 8], sizes = [512, 1], strides = [1, 1]} : vector<512x9xf32> to vector<512x1xf32>
    %mul3A_41 = arith.mulf %slice3A_20, %slice3A_40 : vector<512x1xf32>
    %add3A_42 = arith.addf %add3A_39, %mul3A_41 : vector<512x1xf32>
    %convert_element_type3A_43 = arith.truncf %add3A_26 : vector<512x1xf32> to vector<512x1xbf16>
    %convert_element_type3A_44 = arith.extf %convert_element_type3A_43 : vector<512x1xbf16> to vector<512x1xf32>
    %convert_element_type3A_45 = arith.truncf %add3A_34 : vector<512x1xf32> to vector<512x1xbf16>
    %convert_element_type3A_46 = arith.extf %convert_element_type3A_45 : vector<512x1xbf16> to vector<512x1xf32>
    %convert_element_type3A_47 = arith.truncf %add3A_42 : vector<512x1xf32> to vector<512x1xbf16>
    %convert_element_type3A_48 = arith.extf %convert_element_type3A_47 : vector<512x1xbf16> to vector<512x1xf32>
    %get3A_49 = arith.constant 0 : index
    %get3A_50 = arith.constant 0 : index
    %get3A_51 = vector.load %arg4[%get3A_49, %get3A_50] : memref<3x2304xf32, #tpu.memory_space<vmem>>, vector<1x2304xf32>
    %mul3A_52 = vector.broadcast %convert_element_type3A_44 : vector<512x1xf32> to vector<512x2304xf32>
    %mul3A_53 = vector.broadcast %get3A_51 : vector<1x2304xf32> to vector<512x2304xf32>
    %mul3A_54 = arith.mulf %mul3A_52, %mul3A_53 : vector<512x2304xf32>
    %get3A_55 = arith.constant 1 : index
    %get3A_56 = arith.constant 0 : index
    %get3A_57 = vector.load %arg4[%get3A_55, %get3A_56] : memref<3x2304xf32, #tpu.memory_space<vmem>>, vector<1x2304xf32>
    %mul3A_58 = vector.broadcast %convert_element_type3A_46 : vector<512x1xf32> to vector<512x2304xf32>
    %mul3A_59 = vector.broadcast %get3A_57 : vector<1x2304xf32> to vector<512x2304xf32>
    %mul3A_60 = arith.mulf %mul3A_58, %mul3A_59 : vector<512x2304xf32>
    %add3A_61 = arith.addf %mul3A_54, %mul3A_60 : vector<512x2304xf32>
    %get3A_62 = arith.constant 2 : index
    %get3A_63 = arith.constant 0 : index
    %get3A_64 = vector.load %arg4[%get3A_62, %get3A_63] : memref<3x2304xf32, #tpu.memory_space<vmem>>, vector<1x2304xf32>
    %mul3A_65 = vector.broadcast %convert_element_type3A_48 : vector<512x1xf32> to vector<512x2304xf32>
    %mul3A_66 = vector.broadcast %get3A_64 : vector<1x2304xf32> to vector<512x2304xf32>
    %mul3A_67 = arith.mulf %mul3A_65, %mul3A_66 : vector<512x2304xf32>
    %add3A_68 = arith.addf %add3A_61, %mul3A_67 : vector<512x2304xf32>
    %mul3A_69 = arith.constant 0.159154937 : f32
    %mul3A_70 = vector.broadcast %mul3A_69 : f32 to vector<512x2304xf32>
    %mul3A_71 = arith.mulf %add3A_68, %mul3A_70 : vector<512x2304xf32>
    %round3A = math.roundeven %mul3A_71 : vector<512x2304xf32>
    %mul3A_72 = arith.constant 6.28320313 : f32
    %mul3A_73 = vector.broadcast %mul3A_72 : f32 to vector<512x2304xf32>
    %mul3A_74 = arith.mulf %round3A, %mul3A_73 : vector<512x2304xf32>
    %sub3A = arith.subf %add3A_68, %mul3A_74 : vector<512x2304xf32>
    %mul3A_75 = arith.constant -1.78180635E-5 : f32
    %mul3A_76 = vector.broadcast %mul3A_75 : f32 to vector<512x2304xf32>
    %mul3A_77 = arith.mulf %round3A, %mul3A_76 : vector<512x2304xf32>
    %sub3A_78 = arith.subf %sub3A, %mul3A_77 : vector<512x2304xf32>
    %mul3A_79 = arith.constant 2.43083775E-10 : f32
    %mul3A_80 = vector.broadcast %mul3A_79 : f32 to vector<512x2304xf32>
    %mul3A_81 = arith.mulf %round3A, %mul3A_80 : vector<512x2304xf32>
    %sub3A_82 = arith.subf %sub3A_78, %mul3A_81 : vector<512x2304xf32>
    %cos3A = math.cos %sub3A_82 : vector<512x2304xf32>
    %sin3A = math.sin %sub3A_82 : vector<512x2304xf32>
    %convert_element_type3A_83 = arith.truncf %cos3A : vector<512x2304xf32> to vector<512x2304xbf16>
    %swap3A = arith.constant 0 : index
    %swap3A_84 = arith.constant 0 : index
    %swap3A_85 = vector.load %arg6[%swap3A, %swap3A_84] : memref<512x2304xbf16, #tpu.memory_space<vmem>>, vector<512x2304xbf16>
    tpu.vector_store %arg6[%swap3A, %swap3A_84], %convert_element_type3A_83 {strides = array<i32>} : memref<512x2304xbf16, #tpu.memory_space<vmem>>, vector<512x2304xbf16>,
    %convert_element_type3A_86 = arith.truncf %sin3A : vector<512x2304xf32> to vector<512x2304xbf16>
    %swap3A_87 = arith.constant 0 : index
    %swap3A_88 = arith.constant 0 : index
    %swap3A_89 = vector.load %arg7[%swap3A_87, %swap3A_88] : memref<512x2304xbf16, #tpu.memory_space<vmem>>, vector<512x2304xbf16>
    tpu.vector_store %arg7[%swap3A_87, %swap3A_88], %convert_element_type3A_86 {strides = array<i32>} : memref<512x2304xbf16, #tpu.memory_space<vmem>>, vector<512x2304xbf16>,
    %mul3A_90 = vector.broadcast %get3A_9 : vector<512x1xf32> to vector<512x16xf32>
    %mul3A_91 = arith.mulf %convert_element_type3A_14, %mul3A_90 : vector<512x16xf32>
    %get3A_92 = arith.constant 0 : index
    %get3A_93 = arith.constant 0 : index
    %get3A_94 = vector.load %arg9[%get3A_92, %get3A_93] : memref<16x2304xf32, #tpu.memory_space<vmem>>, vector<16x2304xf32>
    %dot_general3A_95 = arith.constant dense<0.000000e+00> : vector<16x2304xf32>
    %dot_general3A_96 = tpu.matmul %mul3A_91, %cos3A, %dot_general3A_95 {dimension_numbers = #tpu.dot_dimension_numbers<[0], [0], [1], [1], [0, 1, 1, 1], [], []>, precision = #tpu.contract_precision<fp32>, transpose_lhs_hint = false} : vector<512x16xf32>, vector<512x2304xf32>, vector<16x2304xf32> -> vector<16x2304xf32>
    %add3A_97 = arith.addf %get3A_94, %dot_general3A_96 : vector<16x2304xf32>
    %swap3A_98 = arith.constant 0 : index
    %swap3A_99 = arith.constant 0 : index
    %swap3A_100 = vector.load %arg9[%swap3A_98, %swap3A_99] : memref<16x2304xf32, #tpu.memory_space<vmem>>, vector<16x2304xf32>
    tpu.vector_store %arg9[%swap3A_98, %swap3A_99], %add3A_97 {strides = array<i32>} : memref<16x2304xf32, #tpu.memory_space<vmem>>, vector<16x2304xf32>,
    %get3A_101 = arith.constant 0 : index
    %get3A_102 = arith.constant 0 : index
    %get3A_103 = vector.load %arg10[%get3A_101, %get3A_102] : memref<16x2304xf32, #tpu.memory_space<vmem>>, vector<16x2304xf32>
    %dot_general3A_104 = arith.constant dense<0.000000e+00> : vector<16x2304xf32>
    %dot_general3A_105 = tpu.matmul %mul3A_91, %sin3A, %dot_general3A_104 {dimension_numbers = #tpu.dot_dimension_numbers<[0], [0], [1], [1], [0, 1, 1, 1], [], []>, precision = #tpu.contract_precision<fp32>, transpose_lhs_hint = false} : vector<512x16xf32>, vector<512x2304xf32>, vector<16x2304xf32> -> vector<16x2304xf32>
    %add3A_106 = arith.addf %get3A_103, %dot_general3A_105 : vector<16x2304xf32>
    %swap3A_107 = arith.constant 0 : index
    %swap3A_108 = arith.constant 0 : index
    %swap3A_109 = vector.load %arg10[%swap3A_107, %swap3A_108] : memref<16x2304xf32, #tpu.memory_space<vmem>>, vector<16x2304xf32>
    tpu.vector_store %arg10[%swap3A_107, %swap3A_108], %add3A_106 {strides = array<i32>} : memref<16x2304xf32, #tpu.memory_space<vmem>>, vector<16x2304xf32>,
    %eq3A_110 = arith.constant 19 : i32
    %eq3A_111 = arith.cmpi eq, %arg0, %eq3A_110 : i32
    %convert_element_type3A_112 = arith.extui %eq3A_111 : i1 to i32
    %cond3A_113 = arith.constant 0 : i32
    %cond3A_114 = arith.cmpi ne, %convert_element_type3A_112, %cond3A_113 : i32
    scf.if %cond3A_114 {
      %get3A_115 = arith.constant 0 : index
      %get3A_116 = arith.constant 0 : index
      %get3A_117 = vector.load %arg9[%get3A_115, %get3A_116] : memref<16x2304xf32, #tpu.memory_space<vmem>>, vector<16x2304xf32>
      %swap3A_118 = arith.constant 0 : index
      %swap3A_119 = arith.constant 0 : index
      %swap3A_120 = arith.constant 0 : index
      %swap3A_121 = vector.load %arg8[%swap3A_118, %swap3A_119, %swap3A_120] : memref<2x16x2304xf32, #tpu.memory_space<vmem>>, vector<1x16x2304xf32>
      %swap3A_122 = vector.shape_cast %swap3A_121 : vector<1x16x2304xf32> to vector<16x2304xf32>
      %swap3A_123 = vector.shape_cast %get3A_117 : vector<16x2304xf32> to vector<1x16x2304xf32>
      tpu.vector_store %arg8[%swap3A_118, %swap3A_119, %swap3A_120], %swap3A_123 {strides = array<i32>} : memref<2x16x2304xf32, #tpu.memory_space<vmem>>, vector<1x16x2304xf32>,
      %get3A_124 = arith.constant 0 : index
      %get3A_125 = arith.constant 0 : index
      %get3A_126 = vector.load %arg10[%get3A_124, %get3A_125] : memref<16x2304xf32, #tpu.memory_space<vmem>>, vector<16x2304xf32>
      %swap3A_127 = arith.constant 1 : index
      %swap3A_128 = arith.constant 0 : index
      %swap3A_129 = arith.constant 0 : index
      %swap3A_130 = vector.load %arg8[%swap3A_127, %swap3A_128, %swap3A_129] : memref<2x16x2304xf32, #tpu.memory_space<vmem>>, vector<1x16x2304xf32>
      %swap3A_131 = vector.shape_cast %swap3A_130 : vector<1x16x2304xf32> to vector<16x2304xf32>
      %swap3A_132 = vector.shape_cast %get3A_126 : vector<16x2304xf32> to vector<1x16x2304xf32>
      tpu.vector_store %arg8[%swap3A_127, %swap3A_128, %swap3A_129], %swap3A_132 {strides = array<i32>} : memref<2x16x2304xf32, #tpu.memory_space<vmem>>, vector<1x16x2304xf32>,
    } else {
    }
    return
  }
  func.func @transform_0(%arg0: i32) -> (i32, i32) {
    %c0_i32 = arith.constant 0 : i32
    %c0_i32_0 = arith.constant 0 : i32
    return %arg0, %c0_i32 : i32, i32
  }
  func.func @transform_1(%arg0: i32) -> (i32, i32) {
    %c0_i32 = arith.constant 0 : i32
    %c0_i32_0 = arith.constant 0 : i32
    return %arg0, %c0_i32 : i32, i32
  }
  func.func @transform_2(%arg0: i32) -> (i32, i32) {
    %c0_i32 = arith.constant 0 : i32
    %c0_i32_0 = arith.constant 0 : i32
    return %arg0, %c0_i32 : i32, i32
  }
  func.func @transform_3(%arg0: i32) -> (i32, i32) {
    %c0_i32 = arith.constant 0 : i32
    %c0_i32_0 = arith.constant 0 : i32
    %c0_i32_1 = arith.constant 0 : i32
    return %c0_i32, %c0_i32_0 : i32, i32
  }
  func.func @transform_4(%arg0: i32) -> (i32, i32) {
    %c0_i32 = arith.constant 0 : i32
    %c0_i32_0 = arith.constant 0 : i32
    %c0_i32_1 = arith.constant 0 : i32
    return %c0_i32, %c0_i32_0 : i32, i32
  }
  func.func @transform_5(%arg0: i32) -> (i32, i32) {
    %c0_i32 = arith.constant 0 : i32
    %c0_i32_0 = arith.constant 0 : i32
    return %arg0, %c0_i32 : i32, i32
  }
  func.func @transform_6(%arg0: i32) -> (i32, i32) {
    %c0_i32 = arith.constant 0 : i32
    %c0_i32_0 = arith.constant 0 : i32
    return %arg0, %c0_i32 : i32, i32
  }
  func.func @transform_7(%arg0: i32) -> (i32, i32, i32) {
    %c0_i32 = arith.constant 0 : i32
    %c0_i32_0 = arith.constant 0 : i32
    %c0_i32_1 = arith.constant 0 : i32
    %c0_i32_2 = arith.constant 0 : i32
    return %c0_i32, %c0_i32_0, %c0_i32_1 : i32, i32, i32
  }
}

module attributes {stable_mosaic.version = 14 : i64} {
  func.func @_tc_passb_body(%arg0: i32, %arg1: memref<512x2304xbf16, #tpu.memory_space<vmem>>, %arg2: memref<512x2304xbf16, #tpu.memory_space<vmem>>, %arg3: memref<2x16x2304xf32, #tpu.memory_space<vmem>>, %arg4: memref<512x1xi32, #tpu.memory_space<vmem>>, %arg5: memref<512x1xf32, #tpu.memory_space<vmem>>, %arg6: memref<512x1xf32, #tpu.memory_space<vmem>>, %arg7: memref<512x2xf32, #tpu.memory_space<vmem>>, %arg8: memref<3x2304xf32, #tpu.memory_space<vmem>>, %arg9: memref<1x2304xf32, #tpu.memory_space<vmem>>, %arg10: memref<16x9xf32, #tpu.memory_space<smem>>, %arg11: memref<16xf32, #tpu.memory_space<smem>>, %arg12: memref<512x1xf32, #tpu.memory_space<vmem>>, %arg13: memref<32x2304xf32, #tpu.memory_space<vmem>>) attributes {dimension_semantics = [#tpu.dimension_semantics<arbitrary>], iteration_bounds = array<i64: 20>, scalar_prefetch = 0 : i64, scratch_operands = 1 : i64, tpu.core_type = #tpu.core_type<tc>, window_params = [{transform_indices = @transform_0, window_bounds = array<i64: 512, 2304>}, {transform_indices = @transform_1, window_bounds = array<i64: 512, 2304>}, {pipeline_mode = #tpu.pipeline_mode<synchronous>, transform_indices = @transform_2, window_bounds = array<i64: 2, 16, 2304>}, {transform_indices = @transform_3, window_bounds = array<i64: 512, 1>}, {transform_indices = @transform_4, window_bounds = array<i64: 512, 1>}, {transform_indices = @transform_5, window_bounds = array<i64: 512, 1>}, {transform_indices = @transform_6, window_bounds = array<i64: 512, 2>}, {pipeline_mode = #tpu.pipeline_mode<synchronous>, transform_indices = @transform_7, window_bounds = array<i64: 3, 2304>}, {pipeline_mode = #tpu.pipeline_mode<synchronous>, transform_indices = @transform_8, window_bounds = array<i64: 1, 2304>}, {transform_indices = @transform_9, window_bounds = array<i64: 16, 9>}, {transform_indices = @transform_10, window_bounds = array<i64: 16>}, {transform_indices = @transform_11, window_bounds = array<i64: 512, 1>}]} {
    %eq3A = arith.constant 0 : i32
    %eq3A_0 = arith.cmpi eq, %arg0, %eq3A : i32
    %convert_element_type3A = arith.extui %eq3A_0 : i1 to i32
    %cond3A = arith.constant 0 : i32
    %cond3A_1 = arith.cmpi ne, %convert_element_type3A, %cond3A : i32
    scf.if %cond3A_1 {
      %get3A_49 = arith.constant 0 : index
      %get3A_50 = arith.constant 0 : index
      %get3A_51 = vector.load %arg8[%get3A_49, %get3A_50] : memref<3x2304xf32, #tpu.memory_space<vmem>>, vector<1x2304xf32>
      %get3A_52 = arith.constant 1 : index
      %get3A_53 = arith.constant 0 : index
      %get3A_54 = vector.load %arg8[%get3A_52, %get3A_53] : memref<3x2304xf32, #tpu.memory_space<vmem>>, vector<1x2304xf32>
      %get3A_55 = arith.constant 2 : index
      %get3A_56 = arith.constant 0 : index
      %get3A_57 = vector.load %arg8[%get3A_55, %get3A_56] : memref<3x2304xf32, #tpu.memory_space<vmem>>, vector<1x2304xf32>
      %get3A_58 = arith.constant 0 : index
      %get3A_59 = arith.constant 0 : index
      %get3A_60 = memref.load %arg10[%get3A_58, %get3A_59] : memref<16x9xf32, #tpu.memory_space<smem>>
      %mul3A_61 = vector.broadcast %get3A_60 : f32 to vector<1x2304xf32>
      %mul3A_62 = arith.mulf %mul3A_61, %get3A_51 : vector<1x2304xf32>
      %get3A_63 = arith.constant 0 : index
      %get3A_64 = arith.constant 3 : index
      %get3A_65 = memref.load %arg10[%get3A_63, %get3A_64] : memref<16x9xf32, #tpu.memory_space<smem>>
      %mul3A_66 = vector.broadcast %get3A_65 : f32 to vector<1x2304xf32>
      %mul3A_67 = arith.mulf %mul3A_66, %get3A_54 : vector<1x2304xf32>
      %add3A_68 = arith.addf %mul3A_62, %mul3A_67 : vector<1x2304xf32>
      %get3A_69 = arith.constant 0 : index
      %get3A_70 = arith.constant 6 : index
      %get3A_71 = memref.load %arg10[%get3A_69, %get3A_70] : memref<16x9xf32, #tpu.memory_space<smem>>
      %mul3A_72 = vector.broadcast %get3A_71 : f32 to vector<1x2304xf32>
      %mul3A_73 = arith.mulf %mul3A_72, %get3A_57 : vector<1x2304xf32>
      %add3A_74 = arith.addf %add3A_68, %mul3A_73 : vector<1x2304xf32>
      %get3A_75 = arith.constant 0 : index
      %get3A_76 = arith.constant 1 : index
      %get3A_77 = memref.load %arg10[%get3A_75, %get3A_76] : memref<16x9xf32, #tpu.memory_space<smem>>
      %mul3A_78 = vector.broadcast %get3A_77 : f32 to vector<1x2304xf32>
      %mul3A_79 = arith.mulf %mul3A_78, %get3A_51 : vector<1x2304xf32>
      %get3A_80 = arith.constant 0 : index
      %get3A_81 = arith.constant 4 : index
      %get3A_82 = memref.load %arg10[%get3A_80, %get3A_81] : memref<16x9xf32, #tpu.memory_space<smem>>
      %mul3A_83 = vector.broadcast %get3A_82 : f32 to vector<1x2304xf32>
      %mul3A_84 = arith.mulf %mul3A_83, %get3A_54 : vector<1x2304xf32>
      %add3A_85 = arith.addf %mul3A_79, %mul3A_84 : vector<1x2304xf32>
      %get3A_86 = arith.constant 0 : index
      %get3A_87 = arith.constant 7 : index
      %get3A_88 = memref.load %arg10[%get3A_86, %get3A_87] : memref<16x9xf32, #tpu.memory_space<smem>>
      %mul3A_89 = vector.broadcast %get3A_88 : f32 to vector<1x2304xf32>
      %mul3A_90 = arith.mulf %mul3A_89, %get3A_57 : vector<1x2304xf32>
      %add3A_91 = arith.addf %add3A_85, %mul3A_90 : vector<1x2304xf32>
      %get3A_92 = arith.constant 0 : index
      %get3A_93 = arith.constant 2 : index
      %get3A_94 = memref.load %arg10[%get3A_92, %get3A_93] : memref<16x9xf32, #tpu.memory_space<smem>>
      %mul3A_95 = vector.broadcast %get3A_94 : f32 to vector<1x2304xf32>
      %mul3A_96 = arith.mulf %mul3A_95, %get3A_51 : vector<1x2304xf32>
      %get3A_97 = arith.constant 0 : index
      %get3A_98 = arith.constant 5 : index
      %get3A_99 = memref.load %arg10[%get3A_97, %get3A_98] : memref<16x9xf32, #tpu.memory_space<smem>>
      %mul3A_100 = vector.broadcast %get3A_99 : f32 to vector<1x2304xf32>
      %mul3A_101 = arith.mulf %mul3A_100, %get3A_54 : vector<1x2304xf32>
      %add3A_102 = arith.addf %mul3A_96, %mul3A_101 : vector<1x2304xf32>
      %get3A_103 = arith.constant 0 : index
      %get3A_104 = arith.constant 8 : index
      %get3A_105 = memref.load %arg10[%get3A_103, %get3A_104] : memref<16x9xf32, #tpu.memory_space<smem>>
      %mul3A_106 = vector.broadcast %get3A_105 : f32 to vector<1x2304xf32>
      %mul3A_107 = arith.mulf %mul3A_106, %get3A_57 : vector<1x2304xf32>
      %add3A_108 = arith.addf %add3A_102, %mul3A_107 : vector<1x2304xf32>
      %mul3A_109 = arith.mulf %add3A_74, %add3A_74 : vector<1x2304xf32>
      %mul3A_110 = arith.mulf %add3A_91, %add3A_91 : vector<1x2304xf32>
      %add3A_111 = arith.addf %mul3A_109, %mul3A_110 : vector<1x2304xf32>
      %mul3A_112 = arith.mulf %add3A_108, %add3A_108 : vector<1x2304xf32>
      %add3A_113 = arith.addf %add3A_111, %mul3A_112 : vector<1x2304xf32>
      %gt3A = arith.constant 0.000000e+00 : f32
      %gt3A_114 = vector.broadcast %gt3A : f32 to vector<1x2304xf32>
      %gt3A_115 = arith.cmpf ogt, %add3A_113, %gt3A_114 : vector<1x2304xf32>
      %mul3A_116 = arith.constant -2.500000e-01 : f32
      %mul3A_117 = vector.broadcast %mul3A_116 : f32 to vector<1x2304xf32>
      %mul3A_118 = arith.mulf %add3A_113, %mul3A_117 : vector<1x2304xf32>
      %exp3A = math.exp %mul3A_118 : vector<1x2304xf32>
      %max3A = arith.constant 1.000000e-30 : f32
      %max3A_119 = vector.broadcast %max3A : f32 to vector<1x2304xf32>
      %max3A_120 = arith.maximumf %add3A_113, %max3A_119 : vector<1x2304xf32>
      %div3A = arith.divf %exp3A, %max3A_120 : vector<1x2304xf32>
      %broadcast_in_dim3A_121 = arith.constant 0.000000e+00 : f32
      %broadcast_in_dim3A_122 = vector.broadcast %broadcast_in_dim3A_121 : f32 to vector<1x2304xf32>
      %select_n3A = arith.select %gt3A_115, %div3A, %broadcast_in_dim3A_122 : vector<1x2304xi1>, vector<1x2304xf32>
      %get3A_123 = arith.constant 0 : index
      %get3A_124 = memref.load %arg11[%get3A_123] : memref<16xf32, #tpu.memory_space<smem>>
      %get3A_125 = arith.constant 0 : index
      %get3A_126 = arith.constant 0 : index
      %get3A_127 = vector.load %arg9[%get3A_125, %get3A_126] : memref<1x2304xf32, #tpu.memory_space<vmem>>, vector<1x2304xf32>
      %mul3A_128 = vector.broadcast %get3A_124 : f32 to vector<1x2304xf32>
      %mul3A_129 = arith.mulf %mul3A_128, %get3A_127 : vector<1x2304xf32>
      %mul3A_130 = arith.mulf %mul3A_129, %select_n3A : vector<1x2304xf32>
      %get3A_131 = arith.constant 0 : index
      %get3A_132 = arith.constant 0 : index
      %get3A_133 = arith.constant 0 : index
      %get3A_134 = vector.load %arg3[%get3A_131, %get3A_132, %get3A_133] : memref<2x16x2304xf32, #tpu.memory_space<vmem>>, vector<1x1x2304xf32>
      %get3A_135 = vector.shape_cast %get3A_134 : vector<1x1x2304xf32> to vector<1x2304xf32>
      %mul3A_136 = arith.mulf %mul3A_130, %get3A_135 : vector<1x2304xf32>
      %swap3A_137 = arith.constant 0 : index
      %swap3A_138 = arith.constant 0 : index
      %swap3A_139 = vector.load %arg13[%swap3A_137, %swap3A_138] : memref<32x2304xf32, #tpu.memory_space<vmem>>, vector<1x2304xf32>
      tpu.vector_store %arg13[%swap3A_137, %swap3A_138], %mul3A_136 {strides = array<i32>} : memref<32x2304xf32, #tpu.memory_space<vmem>>, vector<1x2304xf32>,
      %get3A_140 = arith.constant 1 : index
      %get3A_141 = arith.constant 0 : index
      %get3A_142 = arith.constant 0 : index
      %get3A_143 = vector.load %arg3[%get3A_140, %get3A_141, %get3A_142] : memref<2x16x2304xf32, #tpu.memory_space<vmem>>, vector<1x1x2304xf32>
      %get3A_144 = vector.shape_cast %get3A_143 : vector<1x1x2304xf32> to vector<1x2304xf32>
      %mul3A_145 = arith.mulf %mul3A_130, %get3A_144 : vector<1x2304xf32>
      %swap3A_146 = arith.constant 16 : index
      %swap3A_147 = arith.constant 0 : index
      %swap3A_148 = vector.load %arg13[%swap3A_146, %swap3A_147] : memref<32x2304xf32, #tpu.memory_space<vmem>>, vector<1x2304xf32>
      tpu.vector_store %arg13[%swap3A_146, %swap3A_147], %mul3A_145 {strides = array<i32>} : memref<32x2304xf32, #tpu.memory_space<vmem>>, vector<1x2304xf32>,
      %get3A_149 = arith.constant 1 : index
      %get3A_150 = arith.constant 0 : index
      %get3A_151 = memref.load %arg10[%get3A_149, %get3A_150] : memref<16x9xf32, #tpu.memory_space<smem>>
      %mul3A_152 = vector.broadcast %get3A_151 : f32 to vector<1x2304xf32>
      %mul3A_153 = arith.mulf %mul3A_152, %get3A_51 : vector<1x2304xf32>
      %get3A_154 = arith.constant 1 : index
      %get3A_155 = arith.constant 3 : index
      %get3A_156 = memref.load %arg10[%get3A_154, %get3A_155] : memref<16x9xf32, #tpu.memory_space<smem>>
      %mul3A_157 = vector.broadcast %get3A_156 : f32 to vector<1x2304xf32>
      %mul3A_158 = arith.mulf %mul3A_157, %get3A_54 : vector<1x2304xf32>
      %add3A_159 = arith.addf %mul3A_153, %mul3A_158 : vector<1x2304xf32>
      %get3A_160 = arith.constant 1 : index
      %get3A_161 = arith.constant 6 : index
      %get3A_162 = memref.load %arg10[%get3A_160, %get3A_161] : memref<16x9xf32, #tpu.memory_space<smem>>
      %mul3A_163 = vector.broadcast %get3A_162 : f32 to vector<1x2304xf32>
      %mul3A_164 = arith.mulf %mul3A_163, %get3A_57 : vector<1x2304xf32>
      %add3A_165 = arith.addf %add3A_159, %mul3A_164 : vector<1x2304xf32>
      %get3A_166 = arith.constant 1 : index
      %get3A_167 = arith.constant 1 : index
      %get3A_168 = memref.load %arg10[%get3A_166, %get3A_167] : memref<16x9xf32, #tpu.memory_space<smem>>
      %mul3A_169 = vector.broadcast %get3A_168 : f32 to vector<1x2304xf32>
      %mul3A_170 = arith.mulf %mul3A_169, %get3A_51 : vector<1x2304xf32>
      %get3A_171 = arith.constant 1 : index
      %get3A_172 = arith.constant 4 : index
      %get3A_173 = memref.load %arg10[%get3A_171, %get3A_172] : memref<16x9xf32, #tpu.memory_space<smem>>
      %mul3A_174 = vector.broadcast %get3A_173 : f32 to vector<1x2304xf32>
      %mul3A_175 = arith.mulf %mul3A_174, %get3A_54 : vector<1x2304xf32>
      %add3A_176 = arith.addf %mul3A_170, %mul3A_175 : vector<1x2304xf32>
      %get3A_177 = arith.constant 1 : index
      %get3A_178 = arith.constant 7 : index
      %get3A_179 = memref.load %arg10[%get3A_177, %get3A_178] : memref<16x9xf32, #tpu.memory_space<smem>>
      %mul3A_180 = vector.broadcast %get3A_179 : f32 to vector<1x2304xf32>
      %mul3A_181 = arith.mulf %mul3A_180, %get3A_57 : vector<1x2304xf32>
      %add3A_182 = arith.addf %add3A_176, %mul3A_181 : vector<1x2304xf32>
      %get3A_183 = arith.constant 1 : index
      %get3A_184 = arith.constant 2 : index
      %get3A_185 = memref.load %arg10[%get3A_183, %get3A_184] : memref<16x9xf32, #tpu.memory_space<smem>>
      %mul3A_186 = vector.broadcast %get3A_185 : f32 to vector<1x2304xf32>
      %mul3A_187 = arith.mulf %mul3A_186, %get3A_51 : vector<1x2304xf32>
      %get3A_188 = arith.constant 1 : index
      %get3A_189 = arith.constant 5 : index
      %get3A_190 = memref.load %arg10[%get3A_188, %get3A_189] : memref<16x9xf32, #tpu.memory_space<smem>>
      %mul3A_191 = vector.broadcast %get3A_190 : f32 to vector<1x2304xf32>
      %mul3A_192 = arith.mulf %mul3A_191, %get3A_54 : vector<1x2304xf32>
      %add3A_193 = arith.addf %mul3A_187, %mul3A_192 : vector<1x2304xf32>
      %get3A_194 = arith.constant 1 : index
      %get3A_195 = arith.constant 8 : index
      %get3A_196 = memref.load %arg10[%get3A_194, %get3A_195] : memref<16x9xf32, #tpu.memory_space<smem>>
      %mul3A_197 = vector.broadcast %get3A_196 : f32 to vector<1x2304xf32>
      %mul3A_198 = arith.mulf %mul3A_197, %get3A_57 : vector<1x2304xf32>
      %add3A_199 = arith.addf %add3A_193, %mul3A_198 : vector<1x2304xf32>
      %mul3A_200 = arith.mulf %add3A_165, %add3A_165 : vector<1x2304xf32>
      %mul3A_201 = arith.mulf %add3A_182, %add3A_182 : vector<1x2304xf32>
      %add3A_202 = arith.addf %mul3A_200, %mul3A_201 : vector<1x2304xf32>
      %mul3A_203 = arith.mulf %add3A_199, %add3A_199 : vector<1x2304xf32>
      %add3A_204 = arith.addf %add3A_202, %mul3A_203 : vector<1x2304xf32>
      %gt3A_205 = arith.constant 0.000000e+00 : f32
      %gt3A_206 = vector.broadcast %gt3A_205 : f32 to vector<1x2304xf32>
      %gt3A_207 = arith.cmpf ogt, %add3A_204, %gt3A_206 : vector<1x2304xf32>
      %mul3A_208 = arith.constant -2.500000e-01 : f32
      %mul3A_209 = vector.broadcast %mul3A_208 : f32 to vector<1x2304xf32>
      %mul3A_210 = arith.mulf %add3A_204, %mul3A_209 : vector<1x2304xf32>
      %exp3A_211 = math.exp %mul3A_210 : vector<1x2304xf32>
      %max3A_212 = arith.constant 1.000000e-30 : f32
      %max3A_213 = vector.broadcast %max3A_212 : f32 to vector<1x2304xf32>
      %max3A_214 = arith.maximumf %add3A_204, %max3A_213 : vector<1x2304xf32>
      %div3A_215 = arith.divf %exp3A_211, %max3A_214 : vector<1x2304xf32>
      %broadcast_in_dim3A_216 = arith.constant 0.000000e+00 : f32
      %broadcast_in_dim3A_217 = vector.broadcast %broadcast_in_dim3A_216 : f32 to vector<1x2304xf32>
      %select_n3A_218 = arith.select %gt3A_207, %div3A_215, %broadcast_in_dim3A_217 : vector<1x2304xi1>, vector<1x2304xf32>
      %get3A_219 = arith.constant 1 : index
      %get3A_220 = memref.load %arg11[%get3A_219] : memref<16xf32, #tpu.memory_space<smem>>
      %get3A_221 = arith.constant 0 : index
      %get3A_222 = arith.constant 0 : index
      %get3A_223 = vector.load %arg9[%get3A_221, %get3A_222] : memref<1x2304xf32, #tpu.memory_space<vmem>>, vector<1x2304xf32>
      %mul3A_224 = vector.broadcast %get3A_220 : f32 to vector<1x2304xf32>
      %mul3A_225 = arith.mulf %mul3A_224, %get3A_223 : vector<1x2304xf32>
      %mul3A_226 = arith.mulf %mul3A_225, %select_n3A_218 : vector<1x2304xf32>
      %get3A_227 = arith.constant 0 : index
      %get3A_228 = arith.constant 1 : index
      %get3A_229 = arith.constant 0 : index
      %get3A_230 = vector.load %arg3[%get3A_227, %get3A_228, %get3A_229] : memref<2x16x2304xf32, #tpu.memory_space<vmem>>, vector<1x1x2304xf32>
      %get3A_231 = vector.shape_cast %get3A_230 : vector<1x1x2304xf32> to vector<1x2304xf32>
      %mul3A_232 = arith.mulf %mul3A_226, %get3A_231 : vector<1x2304xf32>
      %swap3A_233 = arith.constant 1 : index
      %swap3A_234 = arith.constant 0 : index
      %swap3A_235 = vector.load %arg13[%swap3A_233, %swap3A_234] : memref<32x2304xf32, #tpu.memory_space<vmem>>, vector<1x2304xf32>
      tpu.vector_store %arg13[%swap3A_233, %swap3A_234], %mul3A_232 {strides = array<i32>} : memref<32x2304xf32, #tpu.memory_space<vmem>>, vector<1x2304xf32>,
      %get3A_236 = arith.constant 1 : index
      %get3A_237 = arith.constant 1 : index
      %get3A_238 = arith.constant 0 : index
      %get3A_239 = vector.load %arg3[%get3A_236, %get3A_237, %get3A_238] : memref<2x16x2304xf32, #tpu.memory_space<vmem>>, vector<1x1x2304xf32>
      %get3A_240 = vector.shape_cast %get3A_239 : vector<1x1x2304xf32> to vector<1x2304xf32>
      %mul3A_241 = arith.mulf %mul3A_226, %get3A_240 : vector<1x2304xf32>
      %swap3A_242 = arith.constant 17 : index
      %swap3A_243 = arith.constant 0 : index
      %swap3A_244 = vector.load %arg13[%swap3A_242, %swap3A_243] : memref<32x2304xf32, #tpu.memory_space<vmem>>, vector<1x2304xf32>
      tpu.vector_store %arg13[%swap3A_242, %swap3A_243], %mul3A_241 {strides = array<i32>} : memref<32x2304xf32, #tpu.memory_space<vmem>>, vector<1x2304xf32>,
      %get3A_245 = arith.constant 2 : index
      %get3A_246 = arith.constant 0 : index
      %get3A_247 = memref.load %arg10[%get3A_245, %get3A_246] : memref<16x9xf32, #tpu.memory_space<smem>>
      %mul3A_248 = vector.broadcast %get3A_247 : f32 to vector<1x2304xf32>
      %mul3A_249 = arith.mulf %mul3A_248, %get3A_51 : vector<1x2304xf32>
      %get3A_250 = arith.constant 2 : index
      %get3A_251 = arith.constant 3 : index
      %get3A_252 = memref.load %arg10[%get3A_250, %get3A_251] : memref<16x9xf32, #tpu.memory_space<smem>>
      %mul3A_253 = vector.broadcast %get3A_252 : f32 to vector<1x2304xf32>
      %mul3A_254 = arith.mulf %mul3A_253, %get3A_54 : vector<1x2304xf32>
      %add3A_255 = arith.addf %mul3A_249, %mul3A_254 : vector<1x2304xf32>
      %get3A_256 = arith.constant 2 : index
      %get3A_257 = arith.constant 6 : index
      %get3A_258 = memref.load %arg10[%get3A_256, %get3A_257] : memref<16x9xf32, #tpu.memory_space<smem>>
      %mul3A_259 = vector.broadcast %get3A_258 : f32 to vector<1x2304xf32>
      %mul3A_260 = arith.mulf %mul3A_259, %get3A_57 : vector<1x2304xf32>
      %add3A_261 = arith.addf %add3A_255, %mul3A_260 : vector<1x2304xf32>
      %get3A_262 = arith.constant 2 : index
      %get3A_263 = arith.constant 1 : index
      %get3A_264 = memref.load %arg10[%get3A_262, %get3A_263] : memref<16x9xf32, #tpu.memory_space<smem>>
      %mul3A_265 = vector.broadcast %get3A_264 : f32 to vector<1x2304xf32>
      %mul3A_266 = arith.mulf %mul3A_265, %get3A_51 : vector<1x2304xf32>
      %get3A_267 = arith.constant 2 : index
      %get3A_268 = arith.constant 4 : index
      %get3A_269 = memref.load %arg10[%get3A_267, %get3A_268] : memref<16x9xf32, #tpu.memory_space<smem>>
      %mul3A_270 = vector.broadcast %get3A_269 : f32 to vector<1x2304xf32>
      %mul3A_271 = arith.mulf %mul3A_270, %get3A_54 : vector<1x2304xf32>
      %add3A_272 = arith.addf %mul3A_266, %mul3A_271 : vector<1x2304xf32>
      %get3A_273 = arith.constant 2 : index
      %get3A_274 = arith.constant 7 : index
      %get3A_275 = memref.load %arg10[%get3A_273, %get3A_274] : memref<16x9xf32, #tpu.memory_space<smem>>
      %mul3A_276 = vector.broadcast %get3A_275 : f32 to vector<1x2304xf32>
      %mul3A_277 = arith.mulf %mul3A_276, %get3A_57 : vector<1x2304xf32>
      %add3A_278 = arith.addf %add3A_272, %mul3A_277 : vector<1x2304xf32>
      %get3A_279 = arith.constant 2 : index
      %get3A_280 = arith.constant 2 : index
      %get3A_281 = memref.load %arg10[%get3A_279, %get3A_280] : memref<16x9xf32, #tpu.memory_space<smem>>
      %mul3A_282 = vector.broadcast %get3A_281 : f32 to vector<1x2304xf32>
      %mul3A_283 = arith.mulf %mul3A_282, %get3A_51 : vector<1x2304xf32>
      %get3A_284 = arith.constant 2 : index
      %get3A_285 = arith.constant 5 : index
      %get3A_286 = memref.load %arg10[%get3A_284, %get3A_285] : memref<16x9xf32, #tpu.memory_space<smem>>
      %mul3A_287 = vector.broadcast %get3A_286 : f32 to vector<1x2304xf32>
      %mul3A_288 = arith.mulf %mul3A_287, %get3A_54 : vector<1x2304xf32>
      %add3A_289 = arith.addf %mul3A_283, %mul3A_288 : vector<1x2304xf32>
      %get3A_290 = arith.constant 2 : index
      %get3A_291 = arith.constant 8 : index
      %get3A_292 = memref.load %arg10[%get3A_290, %get3A_291] : memref<16x9xf32, #tpu.memory_space<smem>>
      %mul3A_293 = vector.broadcast %get3A_292 : f32 to vector<1x2304xf32>
      %mul3A_294 = arith.mulf %mul3A_293, %get3A_57 : vector<1x2304xf32>
      %add3A_295 = arith.addf %add3A_289, %mul3A_294 : vector<1x2304xf32>
      %mul3A_296 = arith.mulf %add3A_261, %add3A_261 : vector<1x2304xf32>
      %mul3A_297 = arith.mulf %add3A_278, %add3A_278 : vector<1x2304xf32>
      %add3A_298 = arith.addf %mul3A_296, %mul3A_297 : vector<1x2304xf32>
      %mul3A_299 = arith.mulf %add3A_295, %add3A_295 : vector<1x2304xf32>
      %add3A_300 = arith.addf %add3A_298, %mul3A_299 : vector<1x2304xf32>
      %gt3A_301 = arith.constant 0.000000e+00 : f32
      %gt3A_302 = vector.broadcast %gt3A_301 : f32 to vector<1x2304xf32>
      %gt3A_303 = arith.cmpf ogt, %add3A_300, %gt3A_302 : vector<1x2304xf32>
      %mul3A_304 = arith.constant -2.500000e-01 : f32
      %mul3A_305 = vector.broadcast %mul3A_304 : f32 to vector<1x2304xf32>
      %mul3A_306 = arith.mulf %add3A_300, %mul3A_305 : vector<1x2304xf32>
      %exp3A_307 = math.exp %mul3A_306 : vector<1x2304xf32>
      %max3A_308 = arith.constant 1.000000e-30 : f32
      %max3A_309 = vector.broadcast %max3A_308 : f32 to vector<1x2304xf32>
      %max3A_310 = arith.maximumf %add3A_300, %max3A_309 : vector<1x2304xf32>
      %div3A_311 = arith.divf %exp3A_307, %max3A_310 : vector<1x2304xf32>
      %broadcast_in_dim3A_312 = arith.constant 0.000000e+00 : f32
      %broadcast_in_dim3A_313 = vector.broadcast %broadcast_in_dim3A_312 : f32 to vector<1x2304xf32>
      %select_n3A_314 = arith.select %gt3A_303, %div3A_311, %broadcast_in_dim3A_313 : vector<1x2304xi1>, vector<1x2304xf32>
      %get3A_315 = arith.constant 2 : index
      %get3A_316 = memref.load %arg11[%get3A_315] : memref<16xf32, #tpu.memory_space<smem>>
      %get3A_317 = arith.constant 0 : index
      %get3A_318 = arith.constant 0 : index
      %get3A_319 = vector.load %arg9[%get3A_317, %get3A_318] : memref<1x2304xf32, #tpu.memory_space<vmem>>, vector<1x2304xf32>
      %mul3A_320 = vector.broadcast %get3A_316 : f32 to vector<1x2304xf32>
      %mul3A_321 = arith.mulf %mul3A_320, %get3A_319 : vector<1x2304xf32>
      %mul3A_322 = arith.mulf %mul3A_321, %select_n3A_314 : vector<1x2304xf32>
      %get3A_323 = arith.constant 0 : index
      %get3A_324 = arith.constant 2 : index
      %get3A_325 = arith.constant 0 : index
      %get3A_326 = vector.load %arg3[%get3A_323, %get3A_324, %get3A_325] : memref<2x16x2304xf32, #tpu.memory_space<vmem>>, vector<1x1x2304xf32>
      %get3A_327 = vector.shape_cast %get3A_326 : vector<1x1x2304xf32> to vector<1x2304xf32>
      %mul3A_328 = arith.mulf %mul3A_322, %get3A_327 : vector<1x2304xf32>
      %swap3A_329 = arith.constant 2 : index
      %swap3A_330 = arith.constant 0 : index
      %swap3A_331 = vector.load %arg13[%swap3A_329, %swap3A_330] : memref<32x2304xf32, #tpu.memory_space<vmem>>, vector<1x2304xf32>
      tpu.vector_store %arg13[%swap3A_329, %swap3A_330], %mul3A_328 {strides = array<i32>} : memref<32x2304xf32, #tpu.memory_space<vmem>>, vector<1x2304xf32>,
      %get3A_332 = arith.constant 1 : index
      %get3A_333 = arith.constant 2 : index
      %get3A_334 = arith.constant 0 : index
      %get3A_335 = vector.load %arg3[%get3A_332, %get3A_333, %get3A_334] : memref<2x16x2304xf32, #tpu.memory_space<vmem>>, vector<1x1x2304xf32>
      %get3A_336 = vector.shape_cast %get3A_335 : vector<1x1x2304xf32> to vector<1x2304xf32>
      %mul3A_337 = arith.mulf %mul3A_322, %get3A_336 : vector<1x2304xf32>
      %swap3A_338 = arith.constant 18 : index
      %swap3A_339 = arith.constant 0 : index
      %swap3A_340 = vector.load %arg13[%swap3A_338, %swap3A_339] : memref<32x2304xf32, #tpu.memory_space<vmem>>, vector<1x2304xf32>
      tpu.vector_store %arg13[%swap3A_338, %swap3A_339], %mul3A_337 {strides = array<i32>} : memref<32x2304xf32, #tpu.memory_space<vmem>>, vector<1x2304xf32>,
      %get3A_341 = arith.constant 3 : index
      %get3A_342 = arith.constant 0 : index
      %get3A_343 = memref.load %arg10[%get3A_341, %get3A_342] : memref<16x9xf32, #tpu.memory_space<smem>>
      %mul3A_344 = vector.broadcast %get3A_343 : f32 to vector<1x2304xf32>
      %mul3A_345 = arith.mulf %mul3A_344, %get3A_51 : vector<1x2304xf32>
      %get3A_346 = arith.constant 3 : index
      %get3A_347 = arith.constant 3 : index
      %get3A_348 = memref.load %arg10[%get3A_346, %get3A_347] : memref<16x9xf32, #tpu.memory_space<smem>>
      %mul3A_349 = vector.broadcast %get3A_348 : f32 to vector<1x2304xf32>
      %mul3A_350 = arith.mulf %mul3A_349, %get3A_54 : vector<1x2304xf32>
      %add3A_351 = arith.addf %mul3A_345, %mul3A_350 : vector<1x2304xf32>
      %get3A_352 = arith.constant 3 : index
      %get3A_353 = arith.constant 6 : index
      %get3A_354 = memref.load %arg10[%get3A_352, %get3A_353] : memref<16x9xf32, #tpu.memory_space<smem>>
      %mul3A_355 = vector.broadcast %get3A_354 : f32 to vector<1x2304xf32>
      %mul3A_356 = arith.mulf %mul3A_355, %get3A_57 : vector<1x2304xf32>
      %add3A_357 = arith.addf %add3A_351, %mul3A_356 : vector<1x2304xf32>
      %get3A_358 = arith.constant 3 : index
      %get3A_359 = arith.constant 1 : index
      %get3A_360 = memref.load %arg10[%get3A_358, %get3A_359] : memref<16x9xf32, #tpu.memory_space<smem>>
      %mul3A_361 = vector.broadcast %get3A_360 : f32 to vector<1x2304xf32>
      %mul3A_362 = arith.mulf %mul3A_361, %get3A_51 : vector<1x2304xf32>
      %get3A_363 = arith.constant 3 : index
      %get3A_364 = arith.constant 4 : index
      %get3A_365 = memref.load %arg10[%get3A_363, %get3A_364] : memref<16x9xf32, #tpu.memory_space<smem>>
      %mul3A_366 = vector.broadcast %get3A_365 : f32 to vector<1x2304xf32>
      %mul3A_367 = arith.mulf %mul3A_366, %get3A_54 : vector<1x2304xf32>
      %add3A_368 = arith.addf %mul3A_362, %mul3A_367 : vector<1x2304xf32>
      %get3A_369 = arith.constant 3 : index
      %get3A_370 = arith.constant 7 : index
      %get3A_371 = memref.load %arg10[%get3A_369, %get3A_370] : memref<16x9xf32, #tpu.memory_space<smem>>
      %mul3A_372 = vector.broadcast %get3A_371 : f32 to vector<1x2304xf32>
      %mul3A_373 = arith.mulf %mul3A_372, %get3A_57 : vector<1x2304xf32>
      %add3A_374 = arith.addf %add3A_368, %mul3A_373 : vector<1x2304xf32>
      %get3A_375 = arith.constant 3 : index
      %get3A_376 = arith.constant 2 : index
      %get3A_377 = memref.load %arg10[%get3A_375, %get3A_376] : memref<16x9xf32, #tpu.memory_space<smem>>
      %mul3A_378 = vector.broadcast %get3A_377 : f32 to vector<1x2304xf32>
      %mul3A_379 = arith.mulf %mul3A_378, %get3A_51 : vector<1x2304xf32>
      %get3A_380 = arith.constant 3 : index
      %get3A_381 = arith.constant 5 : index
      %get3A_382 = memref.load %arg10[%get3A_380, %get3A_381] : memref<16x9xf32, #tpu.memory_space<smem>>
      %mul3A_383 = vector.broadcast %get3A_382 : f32 to vector<1x2304xf32>
      %mul3A_384 = arith.mulf %mul3A_383, %get3A_54 : vector<1x2304xf32>
      %add3A_385 = arith.addf %mul3A_379, %mul3A_384 : vector<1x2304xf32>
      %get3A_386 = arith.constant 3 : index
      %get3A_387 = arith.constant 8 : index
      %get3A_388 = memref.load %arg10[%get3A_386, %get3A_387] : memref<16x9xf32, #tpu.memory_space<smem>>
      %mul3A_389 = vector.broadcast %get3A_388 : f32 to vector<1x2304xf32>
      %mul3A_390 = arith.mulf %mul3A_389, %get3A_57 : vector<1x2304xf32>
      %add3A_391 = arith.addf %add3A_385, %mul3A_390 : vector<1x2304xf32>
      %mul3A_392 = arith.mulf %add3A_357, %add3A_357 : vector<1x2304xf32>
      %mul3A_393 = arith.mulf %add3A_374, %add3A_374 : vector<1x2304xf32>
      %add3A_394 = arith.addf %mul3A_392, %mul3A_393 : vector<1x2304xf32>
      %mul3A_395 = arith.mulf %add3A_391, %add3A_391 : vector<1x2304xf32>
      %add3A_396 = arith.addf %add3A_394, %mul3A_395 : vector<1x2304xf32>
      %gt3A_397 = arith.constant 0.000000e+00 : f32
      %gt3A_398 = vector.broadcast %gt3A_397 : f32 to vector<1x2304xf32>
      %gt3A_399 = arith.cmpf ogt, %add3A_396, %gt3A_398 : vector<1x2304xf32>
      %mul3A_400 = arith.constant -2.500000e-01 : f32
      %mul3A_401 = vector.broadcast %mul3A_400 : f32 to vector<1x2304xf32>
      %mul3A_402 = arith.mulf %add3A_396, %mul3A_401 : vector<1x2304xf32>
      %exp3A_403 = math.exp %mul3A_402 : vector<1x2304xf32>
      %max3A_404 = arith.constant 1.000000e-30 : f32
      %max3A_405 = vector.broadcast %max3A_404 : f32 to vector<1x2304xf32>
      %max3A_406 = arith.maximumf %add3A_396, %max3A_405 : vector<1x2304xf32>
      %div3A_407 = arith.divf %exp3A_403, %max3A_406 : vector<1x2304xf32>
      %broadcast_in_dim3A_408 = arith.constant 0.000000e+00 : f32
      %broadcast_in_dim3A_409 = vector.broadcast %broadcast_in_dim3A_408 : f32 to vector<1x2304xf32>
      %select_n3A_410 = arith.select %gt3A_399, %div3A_407, %broadcast_in_dim3A_409 : vector<1x2304xi1>, vector<1x2304xf32>
      %get3A_411 = arith.constant 3 : index
      %get3A_412 = memref.load %arg11[%get3A_411] : memref<16xf32, #tpu.memory_space<smem>>
      %get3A_413 = arith.constant 0 : index
      %get3A_414 = arith.constant 0 : index
      %get3A_415 = vector.load %arg9[%get3A_413, %get3A_414] : memref<1x2304xf32, #tpu.memory_space<vmem>>, vector<1x2304xf32>
      %mul3A_416 = vector.broadcast %get3A_412 : f32 to vector<1x2304xf32>
      %mul3A_417 = arith.mulf %mul3A_416, %get3A_415 : vector<1x2304xf32>
      %mul3A_418 = arith.mulf %mul3A_417, %select_n3A_410 : vector<1x2304xf32>
      %get3A_419 = arith.constant 0 : index
      %get3A_420 = arith.constant 3 : index
      %get3A_421 = arith.constant 0 : index
      %get3A_422 = vector.load %arg3[%get3A_419, %get3A_420, %get3A_421] : memref<2x16x2304xf32, #tpu.memory_space<vmem>>, vector<1x1x2304xf32>
      %get3A_423 = vector.shape_cast %get3A_422 : vector<1x1x2304xf32> to vector<1x2304xf32>
      %mul3A_424 = arith.mulf %mul3A_418, %get3A_423 : vector<1x2304xf32>
      %swap3A_425 = arith.constant 3 : index
      %swap3A_426 = arith.constant 0 : index
      %swap3A_427 = vector.load %arg13[%swap3A_425, %swap3A_426] : memref<32x2304xf32, #tpu.memory_space<vmem>>, vector<1x2304xf32>
      tpu.vector_store %arg13[%swap3A_425, %swap3A_426], %mul3A_424 {strides = array<i32>} : memref<32x2304xf32, #tpu.memory_space<vmem>>, vector<1x2304xf32>,
      %get3A_428 = arith.constant 1 : index
      %get3A_429 = arith.constant 3 : index
      %get3A_430 = arith.constant 0 : index
      %get3A_431 = vector.load %arg3[%get3A_428, %get3A_429, %get3A_430] : memref<2x16x2304xf32, #tpu.memory_space<vmem>>, vector<1x1x2304xf32>
      %get3A_432 = vector.shape_cast %get3A_431 : vector<1x1x2304xf32> to vector<1x2304xf32>
      %mul3A_433 = arith.mulf %mul3A_418, %get3A_432 : vector<1x2304xf32>
      %swap3A_434 = arith.constant 19 : index
      %swap3A_435 = arith.constant 0 : index
      %swap3A_436 = vector.load %arg13[%swap3A_434, %swap3A_435] : memref<32x2304xf32, #tpu.memory_space<vmem>>, vector<1x2304xf32>
      tpu.vector_store %arg13[%swap3A_434, %swap3A_435], %mul3A_433 {strides = array<i32>} : memref<32x2304xf32, #tpu.memory_space<vmem>>, vector<1x2304xf32>,
      %get3A_437 = arith.constant 4 : index
      %get3A_438 = arith.constant 0 : index
      %get3A_439 = memref.load %arg10[%get3A_437, %get3A_438] : memref<16x9xf32, #tpu.memory_space<smem>>
      %mul3A_440 = vector.broadcast %get3A_439 : f32 to vector<1x2304xf32>
      %mul3A_441 = arith.mulf %mul3A_440, %get3A_51 : vector<1x2304xf32>
      %get3A_442 = arith.constant 4 : index
      %get3A_443 = arith.constant 3 : index
      %get3A_444 = memref.load %arg10[%get3A_442, %get3A_443] : memref<16x9xf32, #tpu.memory_space<smem>>
      %mul3A_445 = vector.broadcast %get3A_444 : f32 to vector<1x2304xf32>
      %mul3A_446 = arith.mulf %mul3A_445, %get3A_54 : vector<1x2304xf32>
      %add3A_447 = arith.addf %mul3A_441, %mul3A_446 : vector<1x2304xf32>
      %get3A_448 = arith.constant 4 : index
      %get3A_449 = arith.constant 6 : index
      %get3A_450 = memref.load %arg10[%get3A_448, %get3A_449] : memref<16x9xf32, #tpu.memory_space<smem>>
      %mul3A_451 = vector.broadcast %get3A_450 : f32 to vector<1x2304xf32>
      %mul3A_452 = arith.mulf %mul3A_451, %get3A_57 : vector<1x2304xf32>
      %add3A_453 = arith.addf %add3A_447, %mul3A_452 : vector<1x2304xf32>
      %get3A_454 = arith.constant 4 : index
      %get3A_455 = arith.constant 1 : index
      %get3A_456 = memref.load %arg10[%get3A_454, %get3A_455] : memref<16x9xf32, #tpu.memory_space<smem>>
      %mul3A_457 = vector.broadcast %get3A_456 : f32 to vector<1x2304xf32>
      %mul3A_458 = arith.mulf %mul3A_457, %get3A_51 : vector<1x2304xf32>
      %get3A_459 = arith.constant 4 : index
      %get3A_460 = arith.constant 4 : index
      %get3A_461 = memref.load %arg10[%get3A_459, %get3A_460] : memref<16x9xf32, #tpu.memory_space<smem>>
      %mul3A_462 = vector.broadcast %get3A_461 : f32 to vector<1x2304xf32>
      %mul3A_463 = arith.mulf %mul3A_462, %get3A_54 : vector<1x2304xf32>
      %add3A_464 = arith.addf %mul3A_458, %mul3A_463 : vector<1x2304xf32>
      %get3A_465 = arith.constant 4 : index
      %get3A_466 = arith.constant 7 : index
      %get3A_467 = memref.load %arg10[%get3A_465, %get3A_466] : memref<16x9xf32, #tpu.memory_space<smem>>
      %mul3A_468 = vector.broadcast %get3A_467 : f32 to vector<1x2304xf32>
      %mul3A_469 = arith.mulf %mul3A_468, %get3A_57 : vector<1x2304xf32>
      %add3A_470 = arith.addf %add3A_464, %mul3A_469 : vector<1x2304xf32>
      %get3A_471 = arith.constant 4 : index
      %get3A_472 = arith.constant 2 : index
      %get3A_473 = memref.load %arg10[%get3A_471, %get3A_472] : memref<16x9xf32, #tpu.memory_space<smem>>
      %mul3A_474 = vector.broadcast %get3A_473 : f32 to vector<1x2304xf32>
      %mul3A_475 = arith.mulf %mul3A_474, %get3A_51 : vector<1x2304xf32>
      %get3A_476 = arith.constant 4 : index
      %get3A_477 = arith.constant 5 : index
      %get3A_478 = memref.load %arg10[%get3A_476, %get3A_477] : memref<16x9xf32, #tpu.memory_space<smem>>
      %mul3A_479 = vector.broadcast %get3A_478 : f32 to vector<1x2304xf32>
      %mul3A_480 = arith.mulf %mul3A_479, %get3A_54 : vector<1x2304xf32>
      %add3A_481 = arith.addf %mul3A_475, %mul3A_480 : vector<1x2304xf32>
      %get3A_482 = arith.constant 4 : index
      %get3A_483 = arith.constant 8 : index
      %get3A_484 = memref.load %arg10[%get3A_482, %get3A_483] : memref<16x9xf32, #tpu.memory_space<smem>>
      %mul3A_485 = vector.broadcast %get3A_484 : f32 to vector<1x2304xf32>
      %mul3A_486 = arith.mulf %mul3A_485, %get3A_57 : vector<1x2304xf32>
      %add3A_487 = arith.addf %add3A_481, %mul3A_486 : vector<1x2304xf32>
      %mul3A_488 = arith.mulf %add3A_453, %add3A_453 : vector<1x2304xf32>
      %mul3A_489 = arith.mulf %add3A_470, %add3A_470 : vector<1x2304xf32>
      %add3A_490 = arith.addf %mul3A_488, %mul3A_489 : vector<1x2304xf32>
      %mul3A_491 = arith.mulf %add3A_487, %add3A_487 : vector<1x2304xf32>
      %add3A_492 = arith.addf %add3A_490, %mul3A_491 : vector<1x2304xf32>
      %gt3A_493 = arith.constant 0.000000e+00 : f32
      %gt3A_494 = vector.broadcast %gt3A_493 : f32 to vector<1x2304xf32>
      %gt3A_495 = arith.cmpf ogt, %add3A_492, %gt3A_494 : vector<1x2304xf32>
      %mul3A_496 = arith.constant -2.500000e-01 : f32
      %mul3A_497 = vector.broadcast %mul3A_496 : f32 to vector<1x2304xf32>
      %mul3A_498 = arith.mulf %add3A_492, %mul3A_497 : vector<1x2304xf32>
      %exp3A_499 = math.exp %mul3A_498 : vector<1x2304xf32>
      %max3A_500 = arith.constant 1.000000e-30 : f32
      %max3A_501 = vector.broadcast %max3A_500 : f32 to vector<1x2304xf32>
      %max3A_502 = arith.maximumf %add3A_492, %max3A_501 : vector<1x2304xf32>
      %div3A_503 = arith.divf %exp3A_499, %max3A_502 : vector<1x2304xf32>
      %broadcast_in_dim3A_504 = arith.constant 0.000000e+00 : f32
      %broadcast_in_dim3A_505 = vector.broadcast %broadcast_in_dim3A_504 : f32 to vector<1x2304xf32>
      %select_n3A_506 = arith.select %gt3A_495, %div3A_503, %broadcast_in_dim3A_505 : vector<1x2304xi1>, vector<1x2304xf32>
      %get3A_507 = arith.constant 4 : index
      %get3A_508 = memref.load %arg11[%get3A_507] : memref<16xf32, #tpu.memory_space<smem>>
      %get3A_509 = arith.constant 0 : index
      %get3A_510 = arith.constant 0 : index
      %get3A_511 = vector.load %arg9[%get3A_509, %get3A_510] : memref<1x2304xf32, #tpu.memory_space<vmem>>, vector<1x2304xf32>
      %mul3A_512 = vector.broadcast %get3A_508 : f32 to vector<1x2304xf32>
      %mul3A_513 = arith.mulf %mul3A_512, %get3A_511 : vector<1x2304xf32>
      %mul3A_514 = arith.mulf %mul3A_513, %select_n3A_506 : vector<1x2304xf32>
      %get3A_515 = arith.constant 0 : index
      %get3A_516 = arith.constant 4 : index
      %get3A_517 = arith.constant 0 : index
      %get3A_518 = vector.load %arg3[%get3A_515, %get3A_516, %get3A_517] : memref<2x16x2304xf32, #tpu.memory_space<vmem>>, vector<1x1x2304xf32>
      %get3A_519 = vector.shape_cast %get3A_518 : vector<1x1x2304xf32> to vector<1x2304xf32>
      %mul3A_520 = arith.mulf %mul3A_514, %get3A_519 : vector<1x2304xf32>
      %swap3A_521 = arith.constant 4 : index
      %swap3A_522 = arith.constant 0 : index
      %swap3A_523 = vector.load %arg13[%swap3A_521, %swap3A_522] : memref<32x2304xf32, #tpu.memory_space<vmem>>, vector<1x2304xf32>
      tpu.vector_store %arg13[%swap3A_521, %swap3A_522], %mul3A_520 {strides = array<i32>} : memref<32x2304xf32, #tpu.memory_space<vmem>>, vector<1x2304xf32>,
      %get3A_524 = arith.constant 1 : index
      %get3A_525 = arith.constant 4 : index
      %get3A_526 = arith.constant 0 : index
      %get3A_527 = vector.load %arg3[%get3A_524, %get3A_525, %get3A_526] : memref<2x16x2304xf32, #tpu.memory_space<vmem>>, vector<1x1x2304xf32>
      %get3A_528 = vector.shape_cast %get3A_527 : vector<1x1x2304xf32> to vector<1x2304xf32>
      %mul3A_529 = arith.mulf %mul3A_514, %get3A_528 : vector<1x2304xf32>
      %swap3A_530 = arith.constant 20 : index
      %swap3A_531 = arith.constant 0 : index
      %swap3A_532 = vector.load %arg13[%swap3A_530, %swap3A_531] : memref<32x2304xf32, #tpu.memory_space<vmem>>, vector<1x2304xf32>
      tpu.vector_store %arg13[%swap3A_530, %swap3A_531], %mul3A_529 {strides = array<i32>} : memref<32x2304xf32, #tpu.memory_space<vmem>>, vector<1x2304xf32>,
      %get3A_533 = arith.constant 5 : index
      %get3A_534 = arith.constant 0 : index
      %get3A_535 = memref.load %arg10[%get3A_533, %get3A_534] : memref<16x9xf32, #tpu.memory_space<smem>>
      %mul3A_536 = vector.broadcast %get3A_535 : f32 to vector<1x2304xf32>
      %mul3A_537 = arith.mulf %mul3A_536, %get3A_51 : vector<1x2304xf32>
      %get3A_538 = arith.constant 5 : index
      %get3A_539 = arith.constant 3 : index
      %get3A_540 = memref.load %arg10[%get3A_538, %get3A_539] : memref<16x9xf32, #tpu.memory_space<smem>>
      %mul3A_541 = vector.broadcast %get3A_540 : f32 to vector<1x2304xf32>
      %mul3A_542 = arith.mulf %mul3A_541, %get3A_54 : vector<1x2304xf32>
      %add3A_543 = arith.addf %mul3A_537, %mul3A_542 : vector<1x2304xf32>
      %get3A_544 = arith.constant 5 : index
      %get3A_545 = arith.constant 6 : index
      %get3A_546 = memref.load %arg10[%get3A_544, %get3A_545] : memref<16x9xf32, #tpu.memory_space<smem>>
      %mul3A_547 = vector.broadcast %get3A_546 : f32 to vector<1x2304xf32>
      %mul3A_548 = arith.mulf %mul3A_547, %get3A_57 : vector<1x2304xf32>
      %add3A_549 = arith.addf %add3A_543, %mul3A_548 : vector<1x2304xf32>
      %get3A_550 = arith.constant 5 : index
      %get3A_551 = arith.constant 1 : index
      %get3A_552 = memref.load %arg10[%get3A_550, %get3A_551] : memref<16x9xf32, #tpu.memory_space<smem>>
      %mul3A_553 = vector.broadcast %get3A_552 : f32 to vector<1x2304xf32>
      %mul3A_554 = arith.mulf %mul3A_553, %get3A_51 : vector<1x2304xf32>
      %get3A_555 = arith.constant 5 : index
      %get3A_556 = arith.constant 4 : index
      %get3A_557 = memref.load %arg10[%get3A_555, %get3A_556] : memref<16x9xf32, #tpu.memory_space<smem>>
      %mul3A_558 = vector.broadcast %get3A_557 : f32 to vector<1x2304xf32>
      %mul3A_559 = arith.mulf %mul3A_558, %get3A_54 : vector<1x2304xf32>
      %add3A_560 = arith.addf %mul3A_554, %mul3A_559 : vector<1x2304xf32>
      %get3A_561 = arith.constant 5 : index
      %get3A_562 = arith.constant 7 : index
      %get3A_563 = memref.load %arg10[%get3A_561, %get3A_562] : memref<16x9xf32, #tpu.memory_space<smem>>
      %mul3A_564 = vector.broadcast %get3A_563 : f32 to vector<1x2304xf32>
      %mul3A_565 = arith.mulf %mul3A_564, %get3A_57 : vector<1x2304xf32>
      %add3A_566 = arith.addf %add3A_560, %mul3A_565 : vector<1x2304xf32>
      %get3A_567 = arith.constant 5 : index
      %get3A_568 = arith.constant 2 : index
      %get3A_569 = memref.load %arg10[%get3A_567, %get3A_568] : memref<16x9xf32, #tpu.memory_space<smem>>
      %mul3A_570 = vector.broadcast %get3A_569 : f32 to vector<1x2304xf32>
      %mul3A_571 = arith.mulf %mul3A_570, %get3A_51 : vector<1x2304xf32>
      %get3A_572 = arith.constant 5 : index
      %get3A_573 = arith.constant 5 : index
      %get3A_574 = memref.load %arg10[%get3A_572, %get3A_573] : memref<16x9xf32, #tpu.memory_space<smem>>
      %mul3A_575 = vector.broadcast %get3A_574 : f32 to vector<1x2304xf32>
      %mul3A_576 = arith.mulf %mul3A_575, %get3A_54 : vector<1x2304xf32>
      %add3A_577 = arith.addf %mul3A_571, %mul3A_576 : vector<1x2304xf32>
      %get3A_578 = arith.constant 5 : index
      %get3A_579 = arith.constant 8 : index
      %get3A_580 = memref.load %arg10[%get3A_578, %get3A_579] : memref<16x9xf32, #tpu.memory_space<smem>>
      %mul3A_581 = vector.broadcast %get3A_580 : f32 to vector<1x2304xf32>
      %mul3A_582 = arith.mulf %mul3A_581, %get3A_57 : vector<1x2304xf32>
      %add3A_583 = arith.addf %add3A_577, %mul3A_582 : vector<1x2304xf32>
      %mul3A_584 = arith.mulf %add3A_549, %add3A_549 : vector<1x2304xf32>
      %mul3A_585 = arith.mulf %add3A_566, %add3A_566 : vector<1x2304xf32>
      %add3A_586 = arith.addf %mul3A_584, %mul3A_585 : vector<1x2304xf32>
      %mul3A_587 = arith.mulf %add3A_583, %add3A_583 : vector<1x2304xf32>
      %add3A_588 = arith.addf %add3A_586, %mul3A_587 : vector<1x2304xf32>
      %gt3A_589 = arith.constant 0.000000e+00 : f32
      %gt3A_590 = vector.broadcast %gt3A_589 : f32 to vector<1x2304xf32>
      %gt3A_591 = arith.cmpf ogt, %add3A_588, %gt3A_590 : vector<1x2304xf32>
      %mul3A_592 = arith.constant -2.500000e-01 : f32
      %mul3A_593 = vector.broadcast %mul3A_592 : f32 to vector<1x2304xf32>
      %mul3A_594 = arith.mulf %add3A_588, %mul3A_593 : vector<1x2304xf32>
      %exp3A_595 = math.exp %mul3A_594 : vector<1x2304xf32>
      %max3A_596 = arith.constant 1.000000e-30 : f32
      %max3A_597 = vector.broadcast %max3A_596 : f32 to vector<1x2304xf32>
      %max3A_598 = arith.maximumf %add3A_588, %max3A_597 : vector<1x2304xf32>
      %div3A_599 = arith.divf %exp3A_595, %max3A_598 : vector<1x2304xf32>
      %broadcast_in_dim3A_600 = arith.constant 0.000000e+00 : f32
      %broadcast_in_dim3A_601 = vector.broadcast %broadcast_in_dim3A_600 : f32 to vector<1x2304xf32>
      %select_n3A_602 = arith.select %gt3A_591, %div3A_599, %broadcast_in_dim3A_601 : vector<1x2304xi1>, vector<1x2304xf32>
      %get3A_603 = arith.constant 5 : index
      %get3A_604 = memref.load %arg11[%get3A_603] : memref<16xf32, #tpu.memory_space<smem>>
      %get3A_605 = arith.constant 0 : index
      %get3A_606 = arith.constant 0 : index
      %get3A_607 = vector.load %arg9[%get3A_605, %get3A_606] : memref<1x2304xf32, #tpu.memory_space<vmem>>, vector<1x2304xf32>
      %mul3A_608 = vector.broadcast %get3A_604 : f32 to vector<1x2304xf32>
      %mul3A_609 = arith.mulf %mul3A_608, %get3A_607 : vector<1x2304xf32>
      %mul3A_610 = arith.mulf %mul3A_609, %select_n3A_602 : vector<1x2304xf32>
      %get3A_611 = arith.constant 0 : index
      %get3A_612 = arith.constant 5 : index
      %get3A_613 = arith.constant 0 : index
      %get3A_614 = vector.load %arg3[%get3A_611, %get3A_612, %get3A_613] : memref<2x16x2304xf32, #tpu.memory_space<vmem>>, vector<1x1x2304xf32>
      %get3A_615 = vector.shape_cast %get3A_614 : vector<1x1x2304xf32> to vector<1x2304xf32>
      %mul3A_616 = arith.mulf %mul3A_610, %get3A_615 : vector<1x2304xf32>
      %swap3A_617 = arith.constant 5 : index
      %swap3A_618 = arith.constant 0 : index
      %swap3A_619 = vector.load %arg13[%swap3A_617, %swap3A_618] : memref<32x2304xf32, #tpu.memory_space<vmem>>, vector<1x2304xf32>
      tpu.vector_store %arg13[%swap3A_617, %swap3A_618], %mul3A_616 {strides = array<i32>} : memref<32x2304xf32, #tpu.memory_space<vmem>>, vector<1x2304xf32>,
      %get3A_620 = arith.constant 1 : index
      %get3A_621 = arith.constant 5 : index
      %get3A_622 = arith.constant 0 : index
      %get3A_623 = vector.load %arg3[%get3A_620, %get3A_621, %get3A_622] : memref<2x16x2304xf32, #tpu.memory_space<vmem>>, vector<1x1x2304xf32>
      %get3A_624 = vector.shape_cast %get3A_623 : vector<1x1x2304xf32> to vector<1x2304xf32>
      %mul3A_625 = arith.mulf %mul3A_610, %get3A_624 : vector<1x2304xf32>
      %swap3A_626 = arith.constant 21 : index
      %swap3A_627 = arith.constant 0 : index
      %swap3A_628 = vector.load %arg13[%swap3A_626, %swap3A_627] : memref<32x2304xf32, #tpu.memory_space<vmem>>, vector<1x2304xf32>
      tpu.vector_store %arg13[%swap3A_626, %swap3A_627], %mul3A_625 {strides = array<i32>} : memref<32x2304xf32, #tpu.memory_space<vmem>>, vector<1x2304xf32>,
      %get3A_629 = arith.constant 6 : index
      %get3A_630 = arith.constant 0 : index
      %get3A_631 = memref.load %arg10[%get3A_629, %get3A_630] : memref<16x9xf32, #tpu.memory_space<smem>>
      %mul3A_632 = vector.broadcast %get3A_631 : f32 to vector<1x2304xf32>
      %mul3A_633 = arith.mulf %mul3A_632, %get3A_51 : vector<1x2304xf32>
      %get3A_634 = arith.constant 6 : index
      %get3A_635 = arith.constant 3 : index
      %get3A_636 = memref.load %arg10[%get3A_634, %get3A_635] : memref<16x9xf32, #tpu.memory_space<smem>>
      %mul3A_637 = vector.broadcast %get3A_636 : f32 to vector<1x2304xf32>
      %mul3A_638 = arith.mulf %mul3A_637, %get3A_54 : vector<1x2304xf32>
      %add3A_639 = arith.addf %mul3A_633, %mul3A_638 : vector<1x2304xf32>
      %get3A_640 = arith.constant 6 : index
      %get3A_641 = arith.constant 6 : index
      %get3A_642 = memref.load %arg10[%get3A_640, %get3A_641] : memref<16x9xf32, #tpu.memory_space<smem>>
      %mul3A_643 = vector.broadcast %get3A_642 : f32 to vector<1x2304xf32>
      %mul3A_644 = arith.mulf %mul3A_643, %get3A_57 : vector<1x2304xf32>
      %add3A_645 = arith.addf %add3A_639, %mul3A_644 : vector<1x2304xf32>
      %get3A_646 = arith.constant 6 : index
      %get3A_647 = arith.constant 1 : index
      %get3A_648 = memref.load %arg10[%get3A_646, %get3A_647] : memref<16x9xf32, #tpu.memory_space<smem>>
      %mul3A_649 = vector.broadcast %get3A_648 : f32 to vector<1x2304xf32>
      %mul3A_650 = arith.mulf %mul3A_649, %get3A_51 : vector<1x2304xf32>
      %get3A_651 = arith.constant 6 : index
      %get3A_652 = arith.constant 4 : index
      %get3A_653 = memref.load %arg10[%get3A_651, %get3A_652] : memref<16x9xf32, #tpu.memory_space<smem>>
      %mul3A_654 = vector.broadcast %get3A_653 : f32 to vector<1x2304xf32>
      %mul3A_655 = arith.mulf %mul3A_654, %get3A_54 : vector<1x2304xf32>
      %add3A_656 = arith.addf %mul3A_650, %mul3A_655 : vector<1x2304xf32>
      %get3A_657 = arith.constant 6 : index
      %get3A_658 = arith.constant 7 : index
      %get3A_659 = memref.load %arg10[%get3A_657, %get3A_658] : memref<16x9xf32, #tpu.memory_space<smem>>
      %mul3A_660 = vector.broadcast %get3A_659 : f32 to vector<1x2304xf32>
      %mul3A_661 = arith.mulf %mul3A_660, %get3A_57 : vector<1x2304xf32>
      %add3A_662 = arith.addf %add3A_656, %mul3A_661 : vector<1x2304xf32>
      %get3A_663 = arith.constant 6 : index
      %get3A_664 = arith.constant 2 : index
      %get3A_665 = memref.load %arg10[%get3A_663, %get3A_664] : memref<16x9xf32, #tpu.memory_space<smem>>
      %mul3A_666 = vector.broadcast %get3A_665 : f32 to vector<1x2304xf32>
      %mul3A_667 = arith.mulf %mul3A_666, %get3A_51 : vector<1x2304xf32>
      %get3A_668 = arith.constant 6 : index
      %get3A_669 = arith.constant 5 : index
      %get3A_670 = memref.load %arg10[%get3A_668, %get3A_669] : memref<16x9xf32, #tpu.memory_space<smem>>
      %mul3A_671 = vector.broadcast %get3A_670 : f32 to vector<1x2304xf32>
      %mul3A_672 = arith.mulf %mul3A_671, %get3A_54 : vector<1x2304xf32>
      %add3A_673 = arith.addf %mul3A_667, %mul3A_672 : vector<1x2304xf32>
      %get3A_674 = arith.constant 6 : index
      %get3A_675 = arith.constant 8 : index
      %get3A_676 = memref.load %arg10[%get3A_674, %get3A_675] : memref<16x9xf32, #tpu.memory_space<smem>>
      %mul3A_677 = vector.broadcast %get3A_676 : f32 to vector<1x2304xf32>
      %mul3A_678 = arith.mulf %mul3A_677, %get3A_57 : vector<1x2304xf32>
      %add3A_679 = arith.addf %add3A_673, %mul3A_678 : vector<1x2304xf32>
      %mul3A_680 = arith.mulf %add3A_645, %add3A_645 : vector<1x2304xf32>
      %mul3A_681 = arith.mulf %add3A_662, %add3A_662 : vector<1x2304xf32>
      %add3A_682 = arith.addf %mul3A_680, %mul3A_681 : vector<1x2304xf32>
      %mul3A_683 = arith.mulf %add3A_679, %add3A_679 : vector<1x2304xf32>
      %add3A_684 = arith.addf %add3A_682, %mul3A_683 : vector<1x2304xf32>
      %gt3A_685 = arith.constant 0.000000e+00 : f32
      %gt3A_686 = vector.broadcast %gt3A_685 : f32 to vector<1x2304xf32>
      %gt3A_687 = arith.cmpf ogt, %add3A_684, %gt3A_686 : vector<1x2304xf32>
      %mul3A_688 = arith.constant -2.500000e-01 : f32
      %mul3A_689 = vector.broadcast %mul3A_688 : f32 to vector<1x2304xf32>
      %mul3A_690 = arith.mulf %add3A_684, %mul3A_689 : vector<1x2304xf32>
      %exp3A_691 = math.exp %mul3A_690 : vector<1x2304xf32>
      %max3A_692 = arith.constant 1.000000e-30 : f32
      %max3A_693 = vector.broadcast %max3A_692 : f32 to vector<1x2304xf32>
      %max3A_694 = arith.maximumf %add3A_684, %max3A_693 : vector<1x2304xf32>
      %div3A_695 = arith.divf %exp3A_691, %max3A_694 : vector<1x2304xf32>
      %broadcast_in_dim3A_696 = arith.constant 0.000000e+00 : f32
      %broadcast_in_dim3A_697 = vector.broadcast %broadcast_in_dim3A_696 : f32 to vector<1x2304xf32>
      %select_n3A_698 = arith.select %gt3A_687, %div3A_695, %broadcast_in_dim3A_697 : vector<1x2304xi1>, vector<1x2304xf32>
      %get3A_699 = arith.constant 6 : index
      %get3A_700 = memref.load %arg11[%get3A_699] : memref<16xf32, #tpu.memory_space<smem>>
      %get3A_701 = arith.constant 0 : index
      %get3A_702 = arith.constant 0 : index
      %get3A_703 = vector.load %arg9[%get3A_701, %get3A_702] : memref<1x2304xf32, #tpu.memory_space<vmem>>, vector<1x2304xf32>
      %mul3A_704 = vector.broadcast %get3A_700 : f32 to vector<1x2304xf32>
      %mul3A_705 = arith.mulf %mul3A_704, %get3A_703 : vector<1x2304xf32>
      %mul3A_706 = arith.mulf %mul3A_705, %select_n3A_698 : vector<1x2304xf32>
      %get3A_707 = arith.constant 0 : index
      %get3A_708 = arith.constant 6 : index
      %get3A_709 = arith.constant 0 : index
      %get3A_710 = vector.load %arg3[%get3A_707, %get3A_708, %get3A_709] : memref<2x16x2304xf32, #tpu.memory_space<vmem>>, vector<1x1x2304xf32>
      %get3A_711 = vector.shape_cast %get3A_710 : vector<1x1x2304xf32> to vector<1x2304xf32>
      %mul3A_712 = arith.mulf %mul3A_706, %get3A_711 : vector<1x2304xf32>
      %swap3A_713 = arith.constant 6 : index
      %swap3A_714 = arith.constant 0 : index
      %swap3A_715 = vector.load %arg13[%swap3A_713, %swap3A_714] : memref<32x2304xf32, #tpu.memory_space<vmem>>, vector<1x2304xf32>
      tpu.vector_store %arg13[%swap3A_713, %swap3A_714], %mul3A_712 {strides = array<i32>} : memref<32x2304xf32, #tpu.memory_space<vmem>>, vector<1x2304xf32>,
      %get3A_716 = arith.constant 1 : index
      %get3A_717 = arith.constant 6 : index
      %get3A_718 = arith.constant 0 : index
      %get3A_719 = vector.load %arg3[%get3A_716, %get3A_717, %get3A_718] : memref<2x16x2304xf32, #tpu.memory_space<vmem>>, vector<1x1x2304xf32>
      %get3A_720 = vector.shape_cast %get3A_719 : vector<1x1x2304xf32> to vector<1x2304xf32>
      %mul3A_721 = arith.mulf %mul3A_706, %get3A_720 : vector<1x2304xf32>
      %swap3A_722 = arith.constant 22 : index
      %swap3A_723 = arith.constant 0 : index
      %swap3A_724 = vector.load %arg13[%swap3A_722, %swap3A_723] : memref<32x2304xf32, #tpu.memory_space<vmem>>, vector<1x2304xf32>
      tpu.vector_store %arg13[%swap3A_722, %swap3A_723], %mul3A_721 {strides = array<i32>} : memref<32x2304xf32, #tpu.memory_space<vmem>>, vector<1x2304xf32>,
      %get3A_725 = arith.constant 7 : index
      %get3A_726 = arith.constant 0 : index
      %get3A_727 = memref.load %arg10[%get3A_725, %get3A_726] : memref<16x9xf32, #tpu.memory_space<smem>>
      %mul3A_728 = vector.broadcast %get3A_727 : f32 to vector<1x2304xf32>
      %mul3A_729 = arith.mulf %mul3A_728, %get3A_51 : vector<1x2304xf32>
      %get3A_730 = arith.constant 7 : index
      %get3A_731 = arith.constant 3 : index
      %get3A_732 = memref.load %arg10[%get3A_730, %get3A_731] : memref<16x9xf32, #tpu.memory_space<smem>>
      %mul3A_733 = vector.broadcast %get3A_732 : f32 to vector<1x2304xf32>
      %mul3A_734 = arith.mulf %mul3A_733, %get3A_54 : vector<1x2304xf32>
      %add3A_735 = arith.addf %mul3A_729, %mul3A_734 : vector<1x2304xf32>
      %get3A_736 = arith.constant 7 : index
      %get3A_737 = arith.constant 6 : index
      %get3A_738 = memref.load %arg10[%get3A_736, %get3A_737] : memref<16x9xf32, #tpu.memory_space<smem>>
      %mul3A_739 = vector.broadcast %get3A_738 : f32 to vector<1x2304xf32>
      %mul3A_740 = arith.mulf %mul3A_739, %get3A_57 : vector<1x2304xf32>
      %add3A_741 = arith.addf %add3A_735, %mul3A_740 : vector<1x2304xf32>
      %get3A_742 = arith.constant 7 : index
      %get3A_743 = arith.constant 1 : index
      %get3A_744 = memref.load %arg10[%get3A_742, %get3A_743] : memref<16x9xf32, #tpu.memory_space<smem>>
      %mul3A_745 = vector.broadcast %get3A_744 : f32 to vector<1x2304xf32>
      %mul3A_746 = arith.mulf %mul3A_745, %get3A_51 : vector<1x2304xf32>
      %get3A_747 = arith.constant 7 : index
      %get3A_748 = arith.constant 4 : index
      %get3A_749 = memref.load %arg10[%get3A_747, %get3A_748] : memref<16x9xf32, #tpu.memory_space<smem>>
      %mul3A_750 = vector.broadcast %get3A_749 : f32 to vector<1x2304xf32>
      %mul3A_751 = arith.mulf %mul3A_750, %get3A_54 : vector<1x2304xf32>
      %add3A_752 = arith.addf %mul3A_746, %mul3A_751 : vector<1x2304xf32>
      %get3A_753 = arith.constant 7 : index
      %get3A_754 = arith.constant 7 : index
      %get3A_755 = memref.load %arg10[%get3A_753, %get3A_754] : memref<16x9xf32, #tpu.memory_space<smem>>
      %mul3A_756 = vector.broadcast %get3A_755 : f32 to vector<1x2304xf32>
      %mul3A_757 = arith.mulf %mul3A_756, %get3A_57 : vector<1x2304xf32>
      %add3A_758 = arith.addf %add3A_752, %mul3A_757 : vector<1x2304xf32>
      %get3A_759 = arith.constant 7 : index
      %get3A_760 = arith.constant 2 : index
      %get3A_761 = memref.load %arg10[%get3A_759, %get3A_760] : memref<16x9xf32, #tpu.memory_space<smem>>
      %mul3A_762 = vector.broadcast %get3A_761 : f32 to vector<1x2304xf32>
      %mul3A_763 = arith.mulf %mul3A_762, %get3A_51 : vector<1x2304xf32>
      %get3A_764 = arith.constant 7 : index
      %get3A_765 = arith.constant 5 : index
      %get3A_766 = memref.load %arg10[%get3A_764, %get3A_765] : memref<16x9xf32, #tpu.memory_space<smem>>
      %mul3A_767 = vector.broadcast %get3A_766 : f32 to vector<1x2304xf32>
      %mul3A_768 = arith.mulf %mul3A_767, %get3A_54 : vector<1x2304xf32>
      %add3A_769 = arith.addf %mul3A_763, %mul3A_768 : vector<1x2304xf32>
      %get3A_770 = arith.constant 7 : index
      %get3A_771 = arith.constant 8 : index
      %get3A_772 = memref.load %arg10[%get3A_770, %get3A_771] : memref<16x9xf32, #tpu.memory_space<smem>>
      %mul3A_773 = vector.broadcast %get3A_772 : f32 to vector<1x2304xf32>
      %mul3A_774 = arith.mulf %mul3A_773, %get3A_57 : vector<1x2304xf32>
      %add3A_775 = arith.addf %add3A_769, %mul3A_774 : vector<1x2304xf32>
      %mul3A_776 = arith.mulf %add3A_741, %add3A_741 : vector<1x2304xf32>
      %mul3A_777 = arith.mulf %add3A_758, %add3A_758 : vector<1x2304xf32>
      %add3A_778 = arith.addf %mul3A_776, %mul3A_777 : vector<1x2304xf32>
      %mul3A_779 = arith.mulf %add3A_775, %add3A_775 : vector<1x2304xf32>
      %add3A_780 = arith.addf %add3A_778, %mul3A_779 : vector<1x2304xf32>
      %gt3A_781 = arith.constant 0.000000e+00 : f32
      %gt3A_782 = vector.broadcast %gt3A_781 : f32 to vector<1x2304xf32>
      %gt3A_783 = arith.cmpf ogt, %add3A_780, %gt3A_782 : vector<1x2304xf32>
      %mul3A_784 = arith.constant -2.500000e-01 : f32
      %mul3A_785 = vector.broadcast %mul3A_784 : f32 to vector<1x2304xf32>
      %mul3A_786 = arith.mulf %add3A_780, %mul3A_785 : vector<1x2304xf32>
      %exp3A_787 = math.exp %mul3A_786 : vector<1x2304xf32>
      %max3A_788 = arith.constant 1.000000e-30 : f32
      %max3A_789 = vector.broadcast %max3A_788 : f32 to vector<1x2304xf32>
      %max3A_790 = arith.maximumf %add3A_780, %max3A_789 : vector<1x2304xf32>
      %div3A_791 = arith.divf %exp3A_787, %max3A_790 : vector<1x2304xf32>
      %broadcast_in_dim3A_792 = arith.constant 0.000000e+00 : f32
      %broadcast_in_dim3A_793 = vector.broadcast %broadcast_in_dim3A_792 : f32 to vector<1x2304xf32>
      %select_n3A_794 = arith.select %gt3A_783, %div3A_791, %broadcast_in_dim3A_793 : vector<1x2304xi1>, vector<1x2304xf32>
      %get3A_795 = arith.constant 7 : index
      %get3A_796 = memref.load %arg11[%get3A_795] : memref<16xf32, #tpu.memory_space<smem>>
      %get3A_797 = arith.constant 0 : index
      %get3A_798 = arith.constant 0 : index
      %get3A_799 = vector.load %arg9[%get3A_797, %get3A_798] : memref<1x2304xf32, #tpu.memory_space<vmem>>, vector<1x2304xf32>
      %mul3A_800 = vector.broadcast %get3A_796 : f32 to vector<1x2304xf32>
      %mul3A_801 = arith.mulf %mul3A_800, %get3A_799 : vector<1x2304xf32>
      %mul3A_802 = arith.mulf %mul3A_801, %select_n3A_794 : vector<1x2304xf32>
      %get3A_803 = arith.constant 0 : index
      %get3A_804 = arith.constant 7 : index
      %get3A_805 = arith.constant 0 : index
      %get3A_806 = vector.load %arg3[%get3A_803, %get3A_804, %get3A_805] : memref<2x16x2304xf32, #tpu.memory_space<vmem>>, vector<1x1x2304xf32>
      %get3A_807 = vector.shape_cast %get3A_806 : vector<1x1x2304xf32> to vector<1x2304xf32>
      %mul3A_808 = arith.mulf %mul3A_802, %get3A_807 : vector<1x2304xf32>
      %swap3A_809 = arith.constant 7 : index
      %swap3A_810 = arith.constant 0 : index
      %swap3A_811 = vector.load %arg13[%swap3A_809, %swap3A_810] : memref<32x2304xf32, #tpu.memory_space<vmem>>, vector<1x2304xf32>
      tpu.vector_store %arg13[%swap3A_809, %swap3A_810], %mul3A_808 {strides = array<i32>} : memref<32x2304xf32, #tpu.memory_space<vmem>>, vector<1x2304xf32>,
      %get3A_812 = arith.constant 1 : index
      %get3A_813 = arith.constant 7 : index
      %get3A_814 = arith.constant 0 : index
      %get3A_815 = vector.load %arg3[%get3A_812, %get3A_813, %get3A_814] : memref<2x16x2304xf32, #tpu.memory_space<vmem>>, vector<1x1x2304xf32>
      %get3A_816 = vector.shape_cast %get3A_815 : vector<1x1x2304xf32> to vector<1x2304xf32>
      %mul3A_817 = arith.mulf %mul3A_802, %get3A_816 : vector<1x2304xf32>
      %swap3A_818 = arith.constant 23 : index
      %swap3A_819 = arith.constant 0 : index
      %swap3A_820 = vector.load %arg13[%swap3A_818, %swap3A_819] : memref<32x2304xf32, #tpu.memory_space<vmem>>, vector<1x2304xf32>
      tpu.vector_store %arg13[%swap3A_818, %swap3A_819], %mul3A_817 {strides = array<i32>} : memref<32x2304xf32, #tpu.memory_space<vmem>>, vector<1x2304xf32>,
      %get3A_821 = arith.constant 8 : index
      %get3A_822 = arith.constant 0 : index
      %get3A_823 = memref.load %arg10[%get3A_821, %get3A_822] : memref<16x9xf32, #tpu.memory_space<smem>>
      %mul3A_824 = vector.broadcast %get3A_823 : f32 to vector<1x2304xf32>
      %mul3A_825 = arith.mulf %mul3A_824, %get3A_51 : vector<1x2304xf32>
      %get3A_826 = arith.constant 8 : index
      %get3A_827 = arith.constant 3 : index
      %get3A_828 = memref.load %arg10[%get3A_826, %get3A_827] : memref<16x9xf32, #tpu.memory_space<smem>>
      %mul3A_829 = vector.broadcast %get3A_828 : f32 to vector<1x2304xf32>
      %mul3A_830 = arith.mulf %mul3A_829, %get3A_54 : vector<1x2304xf32>
      %add3A_831 = arith.addf %mul3A_825, %mul3A_830 : vector<1x2304xf32>
      %get3A_832 = arith.constant 8 : index
      %get3A_833 = arith.constant 6 : index
      %get3A_834 = memref.load %arg10[%get3A_832, %get3A_833] : memref<16x9xf32, #tpu.memory_space<smem>>
      %mul3A_835 = vector.broadcast %get3A_834 : f32 to vector<1x2304xf32>
      %mul3A_836 = arith.mulf %mul3A_835, %get3A_57 : vector<1x2304xf32>
      %add3A_837 = arith.addf %add3A_831, %mul3A_836 : vector<1x2304xf32>
      %get3A_838 = arith.constant 8 : index
      %get3A_839 = arith.constant 1 : index
      %get3A_840 = memref.load %arg10[%get3A_838, %get3A_839] : memref<16x9xf32, #tpu.memory_space<smem>>
      %mul3A_841 = vector.broadcast %get3A_840 : f32 to vector<1x2304xf32>
      %mul3A_842 = arith.mulf %mul3A_841, %get3A_51 : vector<1x2304xf32>
      %get3A_843 = arith.constant 8 : index
      %get3A_844 = arith.constant 4 : index
      %get3A_845 = memref.load %arg10[%get3A_843, %get3A_844] : memref<16x9xf32, #tpu.memory_space<smem>>
      %mul3A_846 = vector.broadcast %get3A_845 : f32 to vector<1x2304xf32>
      %mul3A_847 = arith.mulf %mul3A_846, %get3A_54 : vector<1x2304xf32>
      %add3A_848 = arith.addf %mul3A_842, %mul3A_847 : vector<1x2304xf32>
      %get3A_849 = arith.constant 8 : index
      %get3A_850 = arith.constant 7 : index
      %get3A_851 = memref.load %arg10[%get3A_849, %get3A_850] : memref<16x9xf32, #tpu.memory_space<smem>>
      %mul3A_852 = vector.broadcast %get3A_851 : f32 to vector<1x2304xf32>
      %mul3A_853 = arith.mulf %mul3A_852, %get3A_57 : vector<1x2304xf32>
      %add3A_854 = arith.addf %add3A_848, %mul3A_853 : vector<1x2304xf32>
      %get3A_855 = arith.constant 8 : index
      %get3A_856 = arith.constant 2 : index
      %get3A_857 = memref.load %arg10[%get3A_855, %get3A_856] : memref<16x9xf32, #tpu.memory_space<smem>>
      %mul3A_858 = vector.broadcast %get3A_857 : f32 to vector<1x2304xf32>
      %mul3A_859 = arith.mulf %mul3A_858, %get3A_51 : vector<1x2304xf32>
      %get3A_860 = arith.constant 8 : index
      %get3A_861 = arith.constant 5 : index
      %get3A_862 = memref.load %arg10[%get3A_860, %get3A_861] : memref<16x9xf32, #tpu.memory_space<smem>>
      %mul3A_863 = vector.broadcast %get3A_862 : f32 to vector<1x2304xf32>
      %mul3A_864 = arith.mulf %mul3A_863, %get3A_54 : vector<1x2304xf32>
      %add3A_865 = arith.addf %mul3A_859, %mul3A_864 : vector<1x2304xf32>
      %get3A_866 = arith.constant 8 : index
      %get3A_867 = arith.constant 8 : index
      %get3A_868 = memref.load %arg10[%get3A_866, %get3A_867] : memref<16x9xf32, #tpu.memory_space<smem>>
      %mul3A_869 = vector.broadcast %get3A_868 : f32 to vector<1x2304xf32>
      %mul3A_870 = arith.mulf %mul3A_869, %get3A_57 : vector<1x2304xf32>
      %add3A_871 = arith.addf %add3A_865, %mul3A_870 : vector<1x2304xf32>
      %mul3A_872 = arith.mulf %add3A_837, %add3A_837 : vector<1x2304xf32>
      %mul3A_873 = arith.mulf %add3A_854, %add3A_854 : vector<1x2304xf32>
      %add3A_874 = arith.addf %mul3A_872, %mul3A_873 : vector<1x2304xf32>
      %mul3A_875 = arith.mulf %add3A_871, %add3A_871 : vector<1x2304xf32>
      %add3A_876 = arith.addf %add3A_874, %mul3A_875 : vector<1x2304xf32>
      %gt3A_877 = arith.constant 0.000000e+00 : f32
      %gt3A_878 = vector.broadcast %gt3A_877 : f32 to vector<1x2304xf32>
      %gt3A_879 = arith.cmpf ogt, %add3A_876, %gt3A_878 : vector<1x2304xf32>
      %mul3A_880 = arith.constant -2.500000e-01 : f32
      %mul3A_881 = vector.broadcast %mul3A_880 : f32 to vector<1x2304xf32>
      %mul3A_882 = arith.mulf %add3A_876, %mul3A_881 : vector<1x2304xf32>
      %exp3A_883 = math.exp %mul3A_882 : vector<1x2304xf32>
      %max3A_884 = arith.constant 1.000000e-30 : f32
      %max3A_885 = vector.broadcast %max3A_884 : f32 to vector<1x2304xf32>
      %max3A_886 = arith.maximumf %add3A_876, %max3A_885 : vector<1x2304xf32>
      %div3A_887 = arith.divf %exp3A_883, %max3A_886 : vector<1x2304xf32>
      %broadcast_in_dim3A_888 = arith.constant 0.000000e+00 : f32
      %broadcast_in_dim3A_889 = vector.broadcast %broadcast_in_dim3A_888 : f32 to vector<1x2304xf32>
      %select_n3A_890 = arith.select %gt3A_879, %div3A_887, %broadcast_in_dim3A_889 : vector<1x2304xi1>, vector<1x2304xf32>
      %get3A_891 = arith.constant 8 : index
      %get3A_892 = memref.load %arg11[%get3A_891] : memref<16xf32, #tpu.memory_space<smem>>
      %get3A_893 = arith.constant 0 : index
      %get3A_894 = arith.constant 0 : index
      %get3A_895 = vector.load %arg9[%get3A_893, %get3A_894] : memref<1x2304xf32, #tpu.memory_space<vmem>>, vector<1x2304xf32>
      %mul3A_896 = vector.broadcast %get3A_892 : f32 to vector<1x2304xf32>
      %mul3A_897 = arith.mulf %mul3A_896, %get3A_895 : vector<1x2304xf32>
      %mul3A_898 = arith.mulf %mul3A_897, %select_n3A_890 : vector<1x2304xf32>
      %get3A_899 = arith.constant 0 : index
      %get3A_900 = arith.constant 8 : index
      %get3A_901 = arith.constant 0 : index
      %get3A_902 = vector.load %arg3[%get3A_899, %get3A_900, %get3A_901] : memref<2x16x2304xf32, #tpu.memory_space<vmem>>, vector<1x1x2304xf32>
      %get3A_903 = vector.shape_cast %get3A_902 : vector<1x1x2304xf32> to vector<1x2304xf32>
      %mul3A_904 = arith.mulf %mul3A_898, %get3A_903 : vector<1x2304xf32>
      %swap3A_905 = arith.constant 8 : index
      %swap3A_906 = arith.constant 0 : index
      %swap3A_907 = vector.load %arg13[%swap3A_905, %swap3A_906] : memref<32x2304xf32, #tpu.memory_space<vmem>>, vector<1x2304xf32>
      tpu.vector_store %arg13[%swap3A_905, %swap3A_906], %mul3A_904 {strides = array<i32>} : memref<32x2304xf32, #tpu.memory_space<vmem>>, vector<1x2304xf32>,
      %get3A_908 = arith.constant 1 : index
      %get3A_909 = arith.constant 8 : index
      %get3A_910 = arith.constant 0 : index
      %get3A_911 = vector.load %arg3[%get3A_908, %get3A_909, %get3A_910] : memref<2x16x2304xf32, #tpu.memory_space<vmem>>, vector<1x1x2304xf32>
      %get3A_912 = vector.shape_cast %get3A_911 : vector<1x1x2304xf32> to vector<1x2304xf32>
      %mul3A_913 = arith.mulf %mul3A_898, %get3A_912 : vector<1x2304xf32>
      %swap3A_914 = arith.constant 24 : index
      %swap3A_915 = arith.constant 0 : index
      %swap3A_916 = vector.load %arg13[%swap3A_914, %swap3A_915] : memref<32x2304xf32, #tpu.memory_space<vmem>>, vector<1x2304xf32>
      tpu.vector_store %arg13[%swap3A_914, %swap3A_915], %mul3A_913 {strides = array<i32>} : memref<32x2304xf32, #tpu.memory_space<vmem>>, vector<1x2304xf32>,
      %get3A_917 = arith.constant 9 : index
      %get3A_918 = arith.constant 0 : index
      %get3A_919 = memref.load %arg10[%get3A_917, %get3A_918] : memref<16x9xf32, #tpu.memory_space<smem>>
      %mul3A_920 = vector.broadcast %get3A_919 : f32 to vector<1x2304xf32>
      %mul3A_921 = arith.mulf %mul3A_920, %get3A_51 : vector<1x2304xf32>
      %get3A_922 = arith.constant 9 : index
      %get3A_923 = arith.constant 3 : index
      %get3A_924 = memref.load %arg10[%get3A_922, %get3A_923] : memref<16x9xf32, #tpu.memory_space<smem>>
      %mul3A_925 = vector.broadcast %get3A_924 : f32 to vector<1x2304xf32>
      %mul3A_926 = arith.mulf %mul3A_925, %get3A_54 : vector<1x2304xf32>
      %add3A_927 = arith.addf %mul3A_921, %mul3A_926 : vector<1x2304xf32>
      %get3A_928 = arith.constant 9 : index
      %get3A_929 = arith.constant 6 : index
      %get3A_930 = memref.load %arg10[%get3A_928, %get3A_929] : memref<16x9xf32, #tpu.memory_space<smem>>
      %mul3A_931 = vector.broadcast %get3A_930 : f32 to vector<1x2304xf32>
      %mul3A_932 = arith.mulf %mul3A_931, %get3A_57 : vector<1x2304xf32>
      %add3A_933 = arith.addf %add3A_927, %mul3A_932 : vector<1x2304xf32>
      %get3A_934 = arith.constant 9 : index
      %get3A_935 = arith.constant 1 : index
      %get3A_936 = memref.load %arg10[%get3A_934, %get3A_935] : memref<16x9xf32, #tpu.memory_space<smem>>
      %mul3A_937 = vector.broadcast %get3A_936 : f32 to vector<1x2304xf32>
      %mul3A_938 = arith.mulf %mul3A_937, %get3A_51 : vector<1x2304xf32>
      %get3A_939 = arith.constant 9 : index
      %get3A_940 = arith.constant 4 : index
      %get3A_941 = memref.load %arg10[%get3A_939, %get3A_940] : memref<16x9xf32, #tpu.memory_space<smem>>
      %mul3A_942 = vector.broadcast %get3A_941 : f32 to vector<1x2304xf32>
      %mul3A_943 = arith.mulf %mul3A_942, %get3A_54 : vector<1x2304xf32>
      %add3A_944 = arith.addf %mul3A_938, %mul3A_943 : vector<1x2304xf32>
      %get3A_945 = arith.constant 9 : index
      %get3A_946 = arith.constant 7 : index
      %get3A_947 = memref.load %arg10[%get3A_945, %get3A_946] : memref<16x9xf32, #tpu.memory_space<smem>>
      %mul3A_948 = vector.broadcast %get3A_947 : f32 to vector<1x2304xf32>
      %mul3A_949 = arith.mulf %mul3A_948, %get3A_57 : vector<1x2304xf32>
      %add3A_950 = arith.addf %add3A_944, %mul3A_949 : vector<1x2304xf32>
      %get3A_951 = arith.constant 9 : index
      %get3A_952 = arith.constant 2 : index
      %get3A_953 = memref.load %arg10[%get3A_951, %get3A_952] : memref<16x9xf32, #tpu.memory_space<smem>>
      %mul3A_954 = vector.broadcast %get3A_953 : f32 to vector<1x2304xf32>
      %mul3A_955 = arith.mulf %mul3A_954, %get3A_51 : vector<1x2304xf32>
      %get3A_956 = arith.constant 9 : index
      %get3A_957 = arith.constant 5 : index
      %get3A_958 = memref.load %arg10[%get3A_956, %get3A_957] : memref<16x9xf32, #tpu.memory_space<smem>>
      %mul3A_959 = vector.broadcast %get3A_958 : f32 to vector<1x2304xf32>
      %mul3A_960 = arith.mulf %mul3A_959, %get3A_54 : vector<1x2304xf32>
      %add3A_961 = arith.addf %mul3A_955, %mul3A_960 : vector<1x2304xf32>
      %get3A_962 = arith.constant 9 : index
      %get3A_963 = arith.constant 8 : index
      %get3A_964 = memref.load %arg10[%get3A_962, %get3A_963] : memref<16x9xf32, #tpu.memory_space<smem>>
      %mul3A_965 = vector.broadcast %get3A_964 : f32 to vector<1x2304xf32>
      %mul3A_966 = arith.mulf %mul3A_965, %get3A_57 : vector<1x2304xf32>
      %add3A_967 = arith.addf %add3A_961, %mul3A_966 : vector<1x2304xf32>
      %mul3A_968 = arith.mulf %add3A_933, %add3A_933 : vector<1x2304xf32>
      %mul3A_969 = arith.mulf %add3A_950, %add3A_950 : vector<1x2304xf32>
      %add3A_970 = arith.addf %mul3A_968, %mul3A_969 : vector<1x2304xf32>
      %mul3A_971 = arith.mulf %add3A_967, %add3A_967 : vector<1x2304xf32>
      %add3A_972 = arith.addf %add3A_970, %mul3A_971 : vector<1x2304xf32>
      %gt3A_973 = arith.constant 0.000000e+00 : f32
      %gt3A_974 = vector.broadcast %gt3A_973 : f32 to vector<1x2304xf32>
      %gt3A_975 = arith.cmpf ogt, %add3A_972, %gt3A_974 : vector<1x2304xf32>
      %mul3A_976 = arith.constant -2.500000e-01 : f32
      %mul3A_977 = vector.broadcast %mul3A_976 : f32 to vector<1x2304xf32>
      %mul3A_978 = arith.mulf %add3A_972, %mul3A_977 : vector<1x2304xf32>
      %exp3A_979 = math.exp %mul3A_978 : vector<1x2304xf32>
      %max3A_980 = arith.constant 1.000000e-30 : f32
      %max3A_981 = vector.broadcast %max3A_980 : f32 to vector<1x2304xf32>
      %max3A_982 = arith.maximumf %add3A_972, %max3A_981 : vector<1x2304xf32>
      %div3A_983 = arith.divf %exp3A_979, %max3A_982 : vector<1x2304xf32>
      %broadcast_in_dim3A_984 = arith.constant 0.000000e+00 : f32
      %broadcast_in_dim3A_985 = vector.broadcast %broadcast_in_dim3A_984 : f32 to vector<1x2304xf32>
      %select_n3A_986 = arith.select %gt3A_975, %div3A_983, %broadcast_in_dim3A_985 : vector<1x2304xi1>, vector<1x2304xf32>
      %get3A_987 = arith.constant 9 : index
      %get3A_988 = memref.load %arg11[%get3A_987] : memref<16xf32, #tpu.memory_space<smem>>
      %get3A_989 = arith.constant 0 : index
      %get3A_990 = arith.constant 0 : index
      %get3A_991 = vector.load %arg9[%get3A_989, %get3A_990] : memref<1x2304xf32, #tpu.memory_space<vmem>>, vector<1x2304xf32>
      %mul3A_992 = vector.broadcast %get3A_988 : f32 to vector<1x2304xf32>
      %mul3A_993 = arith.mulf %mul3A_992, %get3A_991 : vector<1x2304xf32>
      %mul3A_994 = arith.mulf %mul3A_993, %select_n3A_986 : vector<1x2304xf32>
      %get3A_995 = arith.constant 0 : index
      %get3A_996 = arith.constant 9 : index
      %get3A_997 = arith.constant 0 : index
      %get3A_998 = vector.load %arg3[%get3A_995, %get3A_996, %get3A_997] : memref<2x16x2304xf32, #tpu.memory_space<vmem>>, vector<1x1x2304xf32>
      %get3A_999 = vector.shape_cast %get3A_998 : vector<1x1x2304xf32> to vector<1x2304xf32>
      %mul3A_1000 = arith.mulf %mul3A_994, %get3A_999 : vector<1x2304xf32>
      %swap3A_1001 = arith.constant 9 : index
      %swap3A_1002 = arith.constant 0 : index
      %swap3A_1003 = vector.load %arg13[%swap3A_1001, %swap3A_1002] : memref<32x2304xf32, #tpu.memory_space<vmem>>, vector<1x2304xf32>
      tpu.vector_store %arg13[%swap3A_1001, %swap3A_1002], %mul3A_1000 {strides = array<i32>} : memref<32x2304xf32, #tpu.memory_space<vmem>>, vector<1x2304xf32>,
      %get3A_1004 = arith.constant 1 : index
      %get3A_1005 = arith.constant 9 : index
      %get3A_1006 = arith.constant 0 : index
      %get3A_1007 = vector.load %arg3[%get3A_1004, %get3A_1005, %get3A_1006] : memref<2x16x2304xf32, #tpu.memory_space<vmem>>, vector<1x1x2304xf32>
      %get3A_1008 = vector.shape_cast %get3A_1007 : vector<1x1x2304xf32> to vector<1x2304xf32>
      %mul3A_1009 = arith.mulf %mul3A_994, %get3A_1008 : vector<1x2304xf32>
      %swap3A_1010 = arith.constant 25 : index
      %swap3A_1011 = arith.constant 0 : index
      %swap3A_1012 = vector.load %arg13[%swap3A_1010, %swap3A_1011] : memref<32x2304xf32, #tpu.memory_space<vmem>>, vector<1x2304xf32>
      tpu.vector_store %arg13[%swap3A_1010, %swap3A_1011], %mul3A_1009 {strides = array<i32>} : memref<32x2304xf32, #tpu.memory_space<vmem>>, vector<1x2304xf32>,
      %get3A_1013 = arith.constant 10 : index
      %get3A_1014 = arith.constant 0 : index
      %get3A_1015 = memref.load %arg10[%get3A_1013, %get3A_1014] : memref<16x9xf32, #tpu.memory_space<smem>>
      %mul3A_1016 = vector.broadcast %get3A_1015 : f32 to vector<1x2304xf32>
      %mul3A_1017 = arith.mulf %mul3A_1016, %get3A_51 : vector<1x2304xf32>
      %get3A_1018 = arith.constant 10 : index
      %get3A_1019 = arith.constant 3 : index
      %get3A_1020 = memref.load %arg10[%get3A_1018, %get3A_1019] : memref<16x9xf32, #tpu.memory_space<smem>>
      %mul3A_1021 = vector.broadcast %get3A_1020 : f32 to vector<1x2304xf32>
      %mul3A_1022 = arith.mulf %mul3A_1021, %get3A_54 : vector<1x2304xf32>
      %add3A_1023 = arith.addf %mul3A_1017, %mul3A_1022 : vector<1x2304xf32>
      %get3A_1024 = arith.constant 10 : index
      %get3A_1025 = arith.constant 6 : index
      %get3A_1026 = memref.load %arg10[%get3A_1024, %get3A_1025] : memref<16x9xf32, #tpu.memory_space<smem>>
      %mul3A_1027 = vector.broadcast %get3A_1026 : f32 to vector<1x2304xf32>
      %mul3A_1028 = arith.mulf %mul3A_1027, %get3A_57 : vector<1x2304xf32>
      %add3A_1029 = arith.addf %add3A_1023, %mul3A_1028 : vector<1x2304xf32>
      %get3A_1030 = arith.constant 10 : index
      %get3A_1031 = arith.constant 1 : index
      %get3A_1032 = memref.load %arg10[%get3A_1030, %get3A_1031] : memref<16x9xf32, #tpu.memory_space<smem>>
      %mul3A_1033 = vector.broadcast %get3A_1032 : f32 to vector<1x2304xf32>
      %mul3A_1034 = arith.mulf %mul3A_1033, %get3A_51 : vector<1x2304xf32>
      %get3A_1035 = arith.constant 10 : index
      %get3A_1036 = arith.constant 4 : index
      %get3A_1037 = memref.load %arg10[%get3A_1035, %get3A_1036] : memref<16x9xf32, #tpu.memory_space<smem>>
      %mul3A_1038 = vector.broadcast %get3A_1037 : f32 to vector<1x2304xf32>
      %mul3A_1039 = arith.mulf %mul3A_1038, %get3A_54 : vector<1x2304xf32>
      %add3A_1040 = arith.addf %mul3A_1034, %mul3A_1039 : vector<1x2304xf32>
      %get3A_1041 = arith.constant 10 : index
      %get3A_1042 = arith.constant 7 : index
      %get3A_1043 = memref.load %arg10[%get3A_1041, %get3A_1042] : memref<16x9xf32, #tpu.memory_space<smem>>
      %mul3A_1044 = vector.broadcast %get3A_1043 : f32 to vector<1x2304xf32>
      %mul3A_1045 = arith.mulf %mul3A_1044, %get3A_57 : vector<1x2304xf32>
      %add3A_1046 = arith.addf %add3A_1040, %mul3A_1045 : vector<1x2304xf32>
      %get3A_1047 = arith.constant 10 : index
      %get3A_1048 = arith.constant 2 : index
      %get3A_1049 = memref.load %arg10[%get3A_1047, %get3A_1048] : memref<16x9xf32, #tpu.memory_space<smem>>
      %mul3A_1050 = vector.broadcast %get3A_1049 : f32 to vector<1x2304xf32>
      %mul3A_1051 = arith.mulf %mul3A_1050, %get3A_51 : vector<1x2304xf32>
      %get3A_1052 = arith.constant 10 : index
      %get3A_1053 = arith.constant 5 : index
      %get3A_1054 = memref.load %arg10[%get3A_1052, %get3A_1053] : memref<16x9xf32, #tpu.memory_space<smem>>
      %mul3A_1055 = vector.broadcast %get3A_1054 : f32 to vector<1x2304xf32>
      %mul3A_1056 = arith.mulf %mul3A_1055, %get3A_54 : vector<1x2304xf32>
      %add3A_1057 = arith.addf %mul3A_1051, %mul3A_1056 : vector<1x2304xf32>
      %get3A_1058 = arith.constant 10 : index
      %get3A_1059 = arith.constant 8 : index
      %get3A_1060 = memref.load %arg10[%get3A_1058, %get3A_1059] : memref<16x9xf32, #tpu.memory_space<smem>>
      %mul3A_1061 = vector.broadcast %get3A_1060 : f32 to vector<1x2304xf32>
      %mul3A_1062 = arith.mulf %mul3A_1061, %get3A_57 : vector<1x2304xf32>
      %add3A_1063 = arith.addf %add3A_1057, %mul3A_1062 : vector<1x2304xf32>
      %mul3A_1064 = arith.mulf %add3A_1029, %add3A_1029 : vector<1x2304xf32>
      %mul3A_1065 = arith.mulf %add3A_1046, %add3A_1046 : vector<1x2304xf32>
      %add3A_1066 = arith.addf %mul3A_1064, %mul3A_1065 : vector<1x2304xf32>
      %mul3A_1067 = arith.mulf %add3A_1063, %add3A_1063 : vector<1x2304xf32>
      %add3A_1068 = arith.addf %add3A_1066, %mul3A_1067 : vector<1x2304xf32>
      %gt3A_1069 = arith.constant 0.000000e+00 : f32
      %gt3A_1070 = vector.broadcast %gt3A_1069 : f32 to vector<1x2304xf32>
      %gt3A_1071 = arith.cmpf ogt, %add3A_1068, %gt3A_1070 : vector<1x2304xf32>
      %mul3A_1072 = arith.constant -2.500000e-01 : f32
      %mul3A_1073 = vector.broadcast %mul3A_1072 : f32 to vector<1x2304xf32>
      %mul3A_1074 = arith.mulf %add3A_1068, %mul3A_1073 : vector<1x2304xf32>
      %exp3A_1075 = math.exp %mul3A_1074 : vector<1x2304xf32>
      %max3A_1076 = arith.constant 1.000000e-30 : f32
      %max3A_1077 = vector.broadcast %max3A_1076 : f32 to vector<1x2304xf32>
      %max3A_1078 = arith.maximumf %add3A_1068, %max3A_1077 : vector<1x2304xf32>
      %div3A_1079 = arith.divf %exp3A_1075, %max3A_1078 : vector<1x2304xf32>
      %broadcast_in_dim3A_1080 = arith.constant 0.000000e+00 : f32
      %broadcast_in_dim3A_1081 = vector.broadcast %broadcast_in_dim3A_1080 : f32 to vector<1x2304xf32>
      %select_n3A_1082 = arith.select %gt3A_1071, %div3A_1079, %broadcast_in_dim3A_1081 : vector<1x2304xi1>, vector<1x2304xf32>
      %get3A_1083 = arith.constant 10 : index
      %get3A_1084 = memref.load %arg11[%get3A_1083] : memref<16xf32, #tpu.memory_space<smem>>
      %get3A_1085 = arith.constant 0 : index
      %get3A_1086 = arith.constant 0 : index
      %get3A_1087 = vector.load %arg9[%get3A_1085, %get3A_1086] : memref<1x2304xf32, #tpu.memory_space<vmem>>, vector<1x2304xf32>
      %mul3A_1088 = vector.broadcast %get3A_1084 : f32 to vector<1x2304xf32>
      %mul3A_1089 = arith.mulf %mul3A_1088, %get3A_1087 : vector<1x2304xf32>
      %mul3A_1090 = arith.mulf %mul3A_1089, %select_n3A_1082 : vector<1x2304xf32>
      %get3A_1091 = arith.constant 0 : index
      %get3A_1092 = arith.constant 10 : index
      %get3A_1093 = arith.constant 0 : index
      %get3A_1094 = vector.load %arg3[%get3A_1091, %get3A_1092, %get3A_1093] : memref<2x16x2304xf32, #tpu.memory_space<vmem>>, vector<1x1x2304xf32>
      %get3A_1095 = vector.shape_cast %get3A_1094 : vector<1x1x2304xf32> to vector<1x2304xf32>
      %mul3A_1096 = arith.mulf %mul3A_1090, %get3A_1095 : vector<1x2304xf32>
      %swap3A_1097 = arith.constant 10 : index
      %swap3A_1098 = arith.constant 0 : index
      %swap3A_1099 = vector.load %arg13[%swap3A_1097, %swap3A_1098] : memref<32x2304xf32, #tpu.memory_space<vmem>>, vector<1x2304xf32>
      tpu.vector_store %arg13[%swap3A_1097, %swap3A_1098], %mul3A_1096 {strides = array<i32>} : memref<32x2304xf32, #tpu.memory_space<vmem>>, vector<1x2304xf32>,
      %get3A_1100 = arith.constant 1 : index
      %get3A_1101 = arith.constant 10 : index
      %get3A_1102 = arith.constant 0 : index
      %get3A_1103 = vector.load %arg3[%get3A_1100, %get3A_1101, %get3A_1102] : memref<2x16x2304xf32, #tpu.memory_space<vmem>>, vector<1x1x2304xf32>
      %get3A_1104 = vector.shape_cast %get3A_1103 : vector<1x1x2304xf32> to vector<1x2304xf32>
      %mul3A_1105 = arith.mulf %mul3A_1090, %get3A_1104 : vector<1x2304xf32>
      %swap3A_1106 = arith.constant 26 : index
      %swap3A_1107 = arith.constant 0 : index
      %swap3A_1108 = vector.load %arg13[%swap3A_1106, %swap3A_1107] : memref<32x2304xf32, #tpu.memory_space<vmem>>, vector<1x2304xf32>
      tpu.vector_store %arg13[%swap3A_1106, %swap3A_1107], %mul3A_1105 {strides = array<i32>} : memref<32x2304xf32, #tpu.memory_space<vmem>>, vector<1x2304xf32>,
      %get3A_1109 = arith.constant 11 : index
      %get3A_1110 = arith.constant 0 : index
      %get3A_1111 = memref.load %arg10[%get3A_1109, %get3A_1110] : memref<16x9xf32, #tpu.memory_space<smem>>
      %mul3A_1112 = vector.broadcast %get3A_1111 : f32 to vector<1x2304xf32>
      %mul3A_1113 = arith.mulf %mul3A_1112, %get3A_51 : vector<1x2304xf32>
      %get3A_1114 = arith.constant 11 : index
      %get3A_1115 = arith.constant 3 : index
      %get3A_1116 = memref.load %arg10[%get3A_1114, %get3A_1115] : memref<16x9xf32, #tpu.memory_space<smem>>
      %mul3A_1117 = vector.broadcast %get3A_1116 : f32 to vector<1x2304xf32>
      %mul3A_1118 = arith.mulf %mul3A_1117, %get3A_54 : vector<1x2304xf32>
      %add3A_1119 = arith.addf %mul3A_1113, %mul3A_1118 : vector<1x2304xf32>
      %get3A_1120 = arith.constant 11 : index
      %get3A_1121 = arith.constant 6 : index
      %get3A_1122 = memref.load %arg10[%get3A_1120, %get3A_1121] : memref<16x9xf32, #tpu.memory_space<smem>>
      %mul3A_1123 = vector.broadcast %get3A_1122 : f32 to vector<1x2304xf32>
      %mul3A_1124 = arith.mulf %mul3A_1123, %get3A_57 : vector<1x2304xf32>
      %add3A_1125 = arith.addf %add3A_1119, %mul3A_1124 : vector<1x2304xf32>
      %get3A_1126 = arith.constant 11 : index
      %get3A_1127 = arith.constant 1 : index
      %get3A_1128 = memref.load %arg10[%get3A_1126, %get3A_1127] : memref<16x9xf32, #tpu.memory_space<smem>>
      %mul3A_1129 = vector.broadcast %get3A_1128 : f32 to vector<1x2304xf32>
      %mul3A_1130 = arith.mulf %mul3A_1129, %get3A_51 : vector<1x2304xf32>
      %get3A_1131 = arith.constant 11 : index
      %get3A_1132 = arith.constant 4 : index
      %get3A_1133 = memref.load %arg10[%get3A_1131, %get3A_1132] : memref<16x9xf32, #tpu.memory_space<smem>>
      %mul3A_1134 = vector.broadcast %get3A_1133 : f32 to vector<1x2304xf32>
      %mul3A_1135 = arith.mulf %mul3A_1134, %get3A_54 : vector<1x2304xf32>
      %add3A_1136 = arith.addf %mul3A_1130, %mul3A_1135 : vector<1x2304xf32>
      %get3A_1137 = arith.constant 11 : index
      %get3A_1138 = arith.constant 7 : index
      %get3A_1139 = memref.load %arg10[%get3A_1137, %get3A_1138] : memref<16x9xf32, #tpu.memory_space<smem>>
      %mul3A_1140 = vector.broadcast %get3A_1139 : f32 to vector<1x2304xf32>
      %mul3A_1141 = arith.mulf %mul3A_1140, %get3A_57 : vector<1x2304xf32>
      %add3A_1142 = arith.addf %add3A_1136, %mul3A_1141 : vector<1x2304xf32>
      %get3A_1143 = arith.constant 11 : index
      %get3A_1144 = arith.constant 2 : index
      %get3A_1145 = memref.load %arg10[%get3A_1143, %get3A_1144] : memref<16x9xf32, #tpu.memory_space<smem>>
      %mul3A_1146 = vector.broadcast %get3A_1145 : f32 to vector<1x2304xf32>
      %mul3A_1147 = arith.mulf %mul3A_1146, %get3A_51 : vector<1x2304xf32>
      %get3A_1148 = arith.constant 11 : index
      %get3A_1149 = arith.constant 5 : index
      %get3A_1150 = memref.load %arg10[%get3A_1148, %get3A_1149] : memref<16x9xf32, #tpu.memory_space<smem>>
      %mul3A_1151 = vector.broadcast %get3A_1150 : f32 to vector<1x2304xf32>
      %mul3A_1152 = arith.mulf %mul3A_1151, %get3A_54 : vector<1x2304xf32>
      %add3A_1153 = arith.addf %mul3A_1147, %mul3A_1152 : vector<1x2304xf32>
      %get3A_1154 = arith.constant 11 : index
      %get3A_1155 = arith.constant 8 : index
      %get3A_1156 = memref.load %arg10[%get3A_1154, %get3A_1155] : memref<16x9xf32, #tpu.memory_space<smem>>
      %mul3A_1157 = vector.broadcast %get3A_1156 : f32 to vector<1x2304xf32>
      %mul3A_1158 = arith.mulf %mul3A_1157, %get3A_57 : vector<1x2304xf32>
      %add3A_1159 = arith.addf %add3A_1153, %mul3A_1158 : vector<1x2304xf32>
      %mul3A_1160 = arith.mulf %add3A_1125, %add3A_1125 : vector<1x2304xf32>
      %mul3A_1161 = arith.mulf %add3A_1142, %add3A_1142 : vector<1x2304xf32>
      %add3A_1162 = arith.addf %mul3A_1160, %mul3A_1161 : vector<1x2304xf32>
      %mul3A_1163 = arith.mulf %add3A_1159, %add3A_1159 : vector<1x2304xf32>
      %add3A_1164 = arith.addf %add3A_1162, %mul3A_1163 : vector<1x2304xf32>
      %gt3A_1165 = arith.constant 0.000000e+00 : f32
      %gt3A_1166 = vector.broadcast %gt3A_1165 : f32 to vector<1x2304xf32>
      %gt3A_1167 = arith.cmpf ogt, %add3A_1164, %gt3A_1166 : vector<1x2304xf32>
      %mul3A_1168 = arith.constant -2.500000e-01 : f32
      %mul3A_1169 = vector.broadcast %mul3A_1168 : f32 to vector<1x2304xf32>
      %mul3A_1170 = arith.mulf %add3A_1164, %mul3A_1169 : vector<1x2304xf32>
      %exp3A_1171 = math.exp %mul3A_1170 : vector<1x2304xf32>
      %max3A_1172 = arith.constant 1.000000e-30 : f32
      %max3A_1173 = vector.broadcast %max3A_1172 : f32 to vector<1x2304xf32>
      %max3A_1174 = arith.maximumf %add3A_1164, %max3A_1173 : vector<1x2304xf32>
      %div3A_1175 = arith.divf %exp3A_1171, %max3A_1174 : vector<1x2304xf32>
      %broadcast_in_dim3A_1176 = arith.constant 0.000000e+00 : f32
      %broadcast_in_dim3A_1177 = vector.broadcast %broadcast_in_dim3A_1176 : f32 to vector<1x2304xf32>
      %select_n3A_1178 = arith.select %gt3A_1167, %div3A_1175, %broadcast_in_dim3A_1177 : vector<1x2304xi1>, vector<1x2304xf32>
      %get3A_1179 = arith.constant 11 : index
      %get3A_1180 = memref.load %arg11[%get3A_1179] : memref<16xf32, #tpu.memory_space<smem>>
      %get3A_1181 = arith.constant 0 : index
      %get3A_1182 = arith.constant 0 : index
      %get3A_1183 = vector.load %arg9[%get3A_1181, %get3A_1182] : memref<1x2304xf32, #tpu.memory_space<vmem>>, vector<1x2304xf32>
      %mul3A_1184 = vector.broadcast %get3A_1180 : f32 to vector<1x2304xf32>
      %mul3A_1185 = arith.mulf %mul3A_1184, %get3A_1183 : vector<1x2304xf32>
      %mul3A_1186 = arith.mulf %mul3A_1185, %select_n3A_1178 : vector<1x2304xf32>
      %get3A_1187 = arith.constant 0 : index
      %get3A_1188 = arith.constant 11 : index
      %get3A_1189 = arith.constant 0 : index
      %get3A_1190 = vector.load %arg3[%get3A_1187, %get3A_1188, %get3A_1189] : memref<2x16x2304xf32, #tpu.memory_space<vmem>>, vector<1x1x2304xf32>
      %get3A_1191 = vector.shape_cast %get3A_1190 : vector<1x1x2304xf32> to vector<1x2304xf32>
      %mul3A_1192 = arith.mulf %mul3A_1186, %get3A_1191 : vector<1x2304xf32>
      %swap3A_1193 = arith.constant 11 : index
      %swap3A_1194 = arith.constant 0 : index
      %swap3A_1195 = vector.load %arg13[%swap3A_1193, %swap3A_1194] : memref<32x2304xf32, #tpu.memory_space<vmem>>, vector<1x2304xf32>
      tpu.vector_store %arg13[%swap3A_1193, %swap3A_1194], %mul3A_1192 {strides = array<i32>} : memref<32x2304xf32, #tpu.memory_space<vmem>>, vector<1x2304xf32>,
      %get3A_1196 = arith.constant 1 : index
      %get3A_1197 = arith.constant 11 : index
      %get3A_1198 = arith.constant 0 : index
      %get3A_1199 = vector.load %arg3[%get3A_1196, %get3A_1197, %get3A_1198] : memref<2x16x2304xf32, #tpu.memory_space<vmem>>, vector<1x1x2304xf32>
      %get3A_1200 = vector.shape_cast %get3A_1199 : vector<1x1x2304xf32> to vector<1x2304xf32>
      %mul3A_1201 = arith.mulf %mul3A_1186, %get3A_1200 : vector<1x2304xf32>
      %swap3A_1202 = arith.constant 27 : index
      %swap3A_1203 = arith.constant 0 : index
      %swap3A_1204 = vector.load %arg13[%swap3A_1202, %swap3A_1203] : memref<32x2304xf32, #tpu.memory_space<vmem>>, vector<1x2304xf32>
      tpu.vector_store %arg13[%swap3A_1202, %swap3A_1203], %mul3A_1201 {strides = array<i32>} : memref<32x2304xf32, #tpu.memory_space<vmem>>, vector<1x2304xf32>,
      %get3A_1205 = arith.constant 12 : index
      %get3A_1206 = arith.constant 0 : index
      %get3A_1207 = memref.load %arg10[%get3A_1205, %get3A_1206] : memref<16x9xf32, #tpu.memory_space<smem>>
      %mul3A_1208 = vector.broadcast %get3A_1207 : f32 to vector<1x2304xf32>
      %mul3A_1209 = arith.mulf %mul3A_1208, %get3A_51 : vector<1x2304xf32>
      %get3A_1210 = arith.constant 12 : index
      %get3A_1211 = arith.constant 3 : index
      %get3A_1212 = memref.load %arg10[%get3A_1210, %get3A_1211] : memref<16x9xf32, #tpu.memory_space<smem>>
      %mul3A_1213 = vector.broadcast %get3A_1212 : f32 to vector<1x2304xf32>
      %mul3A_1214 = arith.mulf %mul3A_1213, %get3A_54 : vector<1x2304xf32>
      %add3A_1215 = arith.addf %mul3A_1209, %mul3A_1214 : vector<1x2304xf32>
      %get3A_1216 = arith.constant 12 : index
      %get3A_1217 = arith.constant 6 : index
      %get3A_1218 = memref.load %arg10[%get3A_1216, %get3A_1217] : memref<16x9xf32, #tpu.memory_space<smem>>
      %mul3A_1219 = vector.broadcast %get3A_1218 : f32 to vector<1x2304xf32>
      %mul3A_1220 = arith.mulf %mul3A_1219, %get3A_57 : vector<1x2304xf32>
      %add3A_1221 = arith.addf %add3A_1215, %mul3A_1220 : vector<1x2304xf32>
      %get3A_1222 = arith.constant 12 : index
      %get3A_1223 = arith.constant 1 : index
      %get3A_1224 = memref.load %arg10[%get3A_1222, %get3A_1223] : memref<16x9xf32, #tpu.memory_space<smem>>
      %mul3A_1225 = vector.broadcast %get3A_1224 : f32 to vector<1x2304xf32>
      %mul3A_1226 = arith.mulf %mul3A_1225, %get3A_51 : vector<1x2304xf32>
      %get3A_1227 = arith.constant 12 : index
      %get3A_1228 = arith.constant 4 : index
      %get3A_1229 = memref.load %arg10[%get3A_1227, %get3A_1228] : memref<16x9xf32, #tpu.memory_space<smem>>
      %mul3A_1230 = vector.broadcast %get3A_1229 : f32 to vector<1x2304xf32>
      %mul3A_1231 = arith.mulf %mul3A_1230, %get3A_54 : vector<1x2304xf32>
      %add3A_1232 = arith.addf %mul3A_1226, %mul3A_1231 : vector<1x2304xf32>
      %get3A_1233 = arith.constant 12 : index
      %get3A_1234 = arith.constant 7 : index
      %get3A_1235 = memref.load %arg10[%get3A_1233, %get3A_1234] : memref<16x9xf32, #tpu.memory_space<smem>>
      %mul3A_1236 = vector.broadcast %get3A_1235 : f32 to vector<1x2304xf32>
      %mul3A_1237 = arith.mulf %mul3A_1236, %get3A_57 : vector<1x2304xf32>
      %add3A_1238 = arith.addf %add3A_1232, %mul3A_1237 : vector<1x2304xf32>
      %get3A_1239 = arith.constant 12 : index
      %get3A_1240 = arith.constant 2 : index
      %get3A_1241 = memref.load %arg10[%get3A_1239, %get3A_1240] : memref<16x9xf32, #tpu.memory_space<smem>>
      %mul3A_1242 = vector.broadcast %get3A_1241 : f32 to vector<1x2304xf32>
      %mul3A_1243 = arith.mulf %mul3A_1242, %get3A_51 : vector<1x2304xf32>
      %get3A_1244 = arith.constant 12 : index
      %get3A_1245 = arith.constant 5 : index
      %get3A_1246 = memref.load %arg10[%get3A_1244, %get3A_1245] : memref<16x9xf32, #tpu.memory_space<smem>>
      %mul3A_1247 = vector.broadcast %get3A_1246 : f32 to vector<1x2304xf32>
      %mul3A_1248 = arith.mulf %mul3A_1247, %get3A_54 : vector<1x2304xf32>
      %add3A_1249 = arith.addf %mul3A_1243, %mul3A_1248 : vector<1x2304xf32>
      %get3A_1250 = arith.constant 12 : index
      %get3A_1251 = arith.constant 8 : index
      %get3A_1252 = memref.load %arg10[%get3A_1250, %get3A_1251] : memref<16x9xf32, #tpu.memory_space<smem>>
      %mul3A_1253 = vector.broadcast %get3A_1252 : f32 to vector<1x2304xf32>
      %mul3A_1254 = arith.mulf %mul3A_1253, %get3A_57 : vector<1x2304xf32>
      %add3A_1255 = arith.addf %add3A_1249, %mul3A_1254 : vector<1x2304xf32>
      %mul3A_1256 = arith.mulf %add3A_1221, %add3A_1221 : vector<1x2304xf32>
      %mul3A_1257 = arith.mulf %add3A_1238, %add3A_1238 : vector<1x2304xf32>
      %add3A_1258 = arith.addf %mul3A_1256, %mul3A_1257 : vector<1x2304xf32>
      %mul3A_1259 = arith.mulf %add3A_1255, %add3A_1255 : vector<1x2304xf32>
      %add3A_1260 = arith.addf %add3A_1258, %mul3A_1259 : vector<1x2304xf32>
      %gt3A_1261 = arith.constant 0.000000e+00 : f32
      %gt3A_1262 = vector.broadcast %gt3A_1261 : f32 to vector<1x2304xf32>
      %gt3A_1263 = arith.cmpf ogt, %add3A_1260, %gt3A_1262 : vector<1x2304xf32>
      %mul3A_1264 = arith.constant -2.500000e-01 : f32
      %mul3A_1265 = vector.broadcast %mul3A_1264 : f32 to vector<1x2304xf32>
      %mul3A_1266 = arith.mulf %add3A_1260, %mul3A_1265 : vector<1x2304xf32>
      %exp3A_1267 = math.exp %mul3A_1266 : vector<1x2304xf32>
      %max3A_1268 = arith.constant 1.000000e-30 : f32
      %max3A_1269 = vector.broadcast %max3A_1268 : f32 to vector<1x2304xf32>
      %max3A_1270 = arith.maximumf %add3A_1260, %max3A_1269 : vector<1x2304xf32>
      %div3A_1271 = arith.divf %exp3A_1267, %max3A_1270 : vector<1x2304xf32>
      %broadcast_in_dim3A_1272 = arith.constant 0.000000e+00 : f32
      %broadcast_in_dim3A_1273 = vector.broadcast %broadcast_in_dim3A_1272 : f32 to vector<1x2304xf32>
      %select_n3A_1274 = arith.select %gt3A_1263, %div3A_1271, %broadcast_in_dim3A_1273 : vector<1x2304xi1>, vector<1x2304xf32>
      %get3A_1275 = arith.constant 12 : index
      %get3A_1276 = memref.load %arg11[%get3A_1275] : memref<16xf32, #tpu.memory_space<smem>>
      %get3A_1277 = arith.constant 0 : index
      %get3A_1278 = arith.constant 0 : index
      %get3A_1279 = vector.load %arg9[%get3A_1277, %get3A_1278] : memref<1x2304xf32, #tpu.memory_space<vmem>>, vector<1x2304xf32>
      %mul3A_1280 = vector.broadcast %get3A_1276 : f32 to vector<1x2304xf32>
      %mul3A_1281 = arith.mulf %mul3A_1280, %get3A_1279 : vector<1x2304xf32>
      %mul3A_1282 = arith.mulf %mul3A_1281, %select_n3A_1274 : vector<1x2304xf32>
      %get3A_1283 = arith.constant 0 : index
      %get3A_1284 = arith.constant 12 : index
      %get3A_1285 = arith.constant 0 : index
      %get3A_1286 = vector.load %arg3[%get3A_1283, %get3A_1284, %get3A_1285] : memref<2x16x2304xf32, #tpu.memory_space<vmem>>, vector<1x1x2304xf32>
      %get3A_1287 = vector.shape_cast %get3A_1286 : vector<1x1x2304xf32> to vector<1x2304xf32>
      %mul3A_1288 = arith.mulf %mul3A_1282, %get3A_1287 : vector<1x2304xf32>
      %swap3A_1289 = arith.constant 12 : index
      %swap3A_1290 = arith.constant 0 : index
      %swap3A_1291 = vector.load %arg13[%swap3A_1289, %swap3A_1290] : memref<32x2304xf32, #tpu.memory_space<vmem>>, vector<1x2304xf32>
      tpu.vector_store %arg13[%swap3A_1289, %swap3A_1290], %mul3A_1288 {strides = array<i32>} : memref<32x2304xf32, #tpu.memory_space<vmem>>, vector<1x2304xf32>,
      %get3A_1292 = arith.constant 1 : index
      %get3A_1293 = arith.constant 12 : index
      %get3A_1294 = arith.constant 0 : index
      %get3A_1295 = vector.load %arg3[%get3A_1292, %get3A_1293, %get3A_1294] : memref<2x16x2304xf32, #tpu.memory_space<vmem>>, vector<1x1x2304xf32>
      %get3A_1296 = vector.shape_cast %get3A_1295 : vector<1x1x2304xf32> to vector<1x2304xf32>
      %mul3A_1297 = arith.mulf %mul3A_1282, %get3A_1296 : vector<1x2304xf32>
      %swap3A_1298 = arith.constant 28 : index
      %swap3A_1299 = arith.constant 0 : index
      %swap3A_1300 = vector.load %arg13[%swap3A_1298, %swap3A_1299] : memref<32x2304xf32, #tpu.memory_space<vmem>>, vector<1x2304xf32>
      tpu.vector_store %arg13[%swap3A_1298, %swap3A_1299], %mul3A_1297 {strides = array<i32>} : memref<32x2304xf32, #tpu.memory_space<vmem>>, vector<1x2304xf32>,
      %get3A_1301 = arith.constant 13 : index
      %get3A_1302 = arith.constant 0 : index
      %get3A_1303 = memref.load %arg10[%get3A_1301, %get3A_1302] : memref<16x9xf32, #tpu.memory_space<smem>>
      %mul3A_1304 = vector.broadcast %get3A_1303 : f32 to vector<1x2304xf32>
      %mul3A_1305 = arith.mulf %mul3A_1304, %get3A_51 : vector<1x2304xf32>
      %get3A_1306 = arith.constant 13 : index
      %get3A_1307 = arith.constant 3 : index
      %get3A_1308 = memref.load %arg10[%get3A_1306, %get3A_1307] : memref<16x9xf32, #tpu.memory_space<smem>>
      %mul3A_1309 = vector.broadcast %get3A_1308 : f32 to vector<1x2304xf32>
      %mul3A_1310 = arith.mulf %mul3A_1309, %get3A_54 : vector<1x2304xf32>
      %add3A_1311 = arith.addf %mul3A_1305, %mul3A_1310 : vector<1x2304xf32>
      %get3A_1312 = arith.constant 13 : index
      %get3A_1313 = arith.constant 6 : index
      %get3A_1314 = memref.load %arg10[%get3A_1312, %get3A_1313] : memref<16x9xf32, #tpu.memory_space<smem>>
      %mul3A_1315 = vector.broadcast %get3A_1314 : f32 to vector<1x2304xf32>
      %mul3A_1316 = arith.mulf %mul3A_1315, %get3A_57 : vector<1x2304xf32>
      %add3A_1317 = arith.addf %add3A_1311, %mul3A_1316 : vector<1x2304xf32>
      %get3A_1318 = arith.constant 13 : index
      %get3A_1319 = arith.constant 1 : index
      %get3A_1320 = memref.load %arg10[%get3A_1318, %get3A_1319] : memref<16x9xf32, #tpu.memory_space<smem>>
      %mul3A_1321 = vector.broadcast %get3A_1320 : f32 to vector<1x2304xf32>
      %mul3A_1322 = arith.mulf %mul3A_1321, %get3A_51 : vector<1x2304xf32>
      %get3A_1323 = arith.constant 13 : index
      %get3A_1324 = arith.constant 4 : index
      %get3A_1325 = memref.load %arg10[%get3A_1323, %get3A_1324] : memref<16x9xf32, #tpu.memory_space<smem>>
      %mul3A_1326 = vector.broadcast %get3A_1325 : f32 to vector<1x2304xf32>
      %mul3A_1327 = arith.mulf %mul3A_1326, %get3A_54 : vector<1x2304xf32>
      %add3A_1328 = arith.addf %mul3A_1322, %mul3A_1327 : vector<1x2304xf32>
      %get3A_1329 = arith.constant 13 : index
      %get3A_1330 = arith.constant 7 : index
      %get3A_1331 = memref.load %arg10[%get3A_1329, %get3A_1330] : memref<16x9xf32, #tpu.memory_space<smem>>
      %mul3A_1332 = vector.broadcast %get3A_1331 : f32 to vector<1x2304xf32>
      %mul3A_1333 = arith.mulf %mul3A_1332, %get3A_57 : vector<1x2304xf32>
      %add3A_1334 = arith.addf %add3A_1328, %mul3A_1333 : vector<1x2304xf32>
      %get3A_1335 = arith.constant 13 : index
      %get3A_1336 = arith.constant 2 : index
      %get3A_1337 = memref.load %arg10[%get3A_1335, %get3A_1336] : memref<16x9xf32, #tpu.memory_space<smem>>
      %mul3A_1338 = vector.broadcast %get3A_1337 : f32 to vector<1x2304xf32>
      %mul3A_1339 = arith.mulf %mul3A_1338, %get3A_51 : vector<1x2304xf32>
      %get3A_1340 = arith.constant 13 : index
      %get3A_1341 = arith.constant 5 : index
      %get3A_1342 = memref.load %arg10[%get3A_1340, %get3A_1341] : memref<16x9xf32, #tpu.memory_space<smem>>
      %mul3A_1343 = vector.broadcast %get3A_1342 : f32 to vector<1x2304xf32>
      %mul3A_1344 = arith.mulf %mul3A_1343, %get3A_54 : vector<1x2304xf32>
      %add3A_1345 = arith.addf %mul3A_1339, %mul3A_1344 : vector<1x2304xf32>
      %get3A_1346 = arith.constant 13 : index
      %get3A_1347 = arith.constant 8 : index
      %get3A_1348 = memref.load %arg10[%get3A_1346, %get3A_1347] : memref<16x9xf32, #tpu.memory_space<smem>>
      %mul3A_1349 = vector.broadcast %get3A_1348 : f32 to vector<1x2304xf32>
      %mul3A_1350 = arith.mulf %mul3A_1349, %get3A_57 : vector<1x2304xf32>
      %add3A_1351 = arith.addf %add3A_1345, %mul3A_1350 : vector<1x2304xf32>
      %mul3A_1352 = arith.mulf %add3A_1317, %add3A_1317 : vector<1x2304xf32>
      %mul3A_1353 = arith.mulf %add3A_1334, %add3A_1334 : vector<1x2304xf32>
      %add3A_1354 = arith.addf %mul3A_1352, %mul3A_1353 : vector<1x2304xf32>
      %mul3A_1355 = arith.mulf %add3A_1351, %add3A_1351 : vector<1x2304xf32>
      %add3A_1356 = arith.addf %add3A_1354, %mul3A_1355 : vector<1x2304xf32>
      %gt3A_1357 = arith.constant 0.000000e+00 : f32
      %gt3A_1358 = vector.broadcast %gt3A_1357 : f32 to vector<1x2304xf32>
      %gt3A_1359 = arith.cmpf ogt, %add3A_1356, %gt3A_1358 : vector<1x2304xf32>
      %mul3A_1360 = arith.constant -2.500000e-01 : f32
      %mul3A_1361 = vector.broadcast %mul3A_1360 : f32 to vector<1x2304xf32>
      %mul3A_1362 = arith.mulf %add3A_1356, %mul3A_1361 : vector<1x2304xf32>
      %exp3A_1363 = math.exp %mul3A_1362 : vector<1x2304xf32>
      %max3A_1364 = arith.constant 1.000000e-30 : f32
      %max3A_1365 = vector.broadcast %max3A_1364 : f32 to vector<1x2304xf32>
      %max3A_1366 = arith.maximumf %add3A_1356, %max3A_1365 : vector<1x2304xf32>
      %div3A_1367 = arith.divf %exp3A_1363, %max3A_1366 : vector<1x2304xf32>
      %broadcast_in_dim3A_1368 = arith.constant 0.000000e+00 : f32
      %broadcast_in_dim3A_1369 = vector.broadcast %broadcast_in_dim3A_1368 : f32 to vector<1x2304xf32>
      %select_n3A_1370 = arith.select %gt3A_1359, %div3A_1367, %broadcast_in_dim3A_1369 : vector<1x2304xi1>, vector<1x2304xf32>
      %get3A_1371 = arith.constant 13 : index
      %get3A_1372 = memref.load %arg11[%get3A_1371] : memref<16xf32, #tpu.memory_space<smem>>
      %get3A_1373 = arith.constant 0 : index
      %get3A_1374 = arith.constant 0 : index
      %get3A_1375 = vector.load %arg9[%get3A_1373, %get3A_1374] : memref<1x2304xf32, #tpu.memory_space<vmem>>, vector<1x2304xf32>
      %mul3A_1376 = vector.broadcast %get3A_1372 : f32 to vector<1x2304xf32>
      %mul3A_1377 = arith.mulf %mul3A_1376, %get3A_1375 : vector<1x2304xf32>
      %mul3A_1378 = arith.mulf %mul3A_1377, %select_n3A_1370 : vector<1x2304xf32>
      %get3A_1379 = arith.constant 0 : index
      %get3A_1380 = arith.constant 13 : index
      %get3A_1381 = arith.constant 0 : index
      %get3A_1382 = vector.load %arg3[%get3A_1379, %get3A_1380, %get3A_1381] : memref<2x16x2304xf32, #tpu.memory_space<vmem>>, vector<1x1x2304xf32>
      %get3A_1383 = vector.shape_cast %get3A_1382 : vector<1x1x2304xf32> to vector<1x2304xf32>
      %mul3A_1384 = arith.mulf %mul3A_1378, %get3A_1383 : vector<1x2304xf32>
      %swap3A_1385 = arith.constant 13 : index
      %swap3A_1386 = arith.constant 0 : index
      %swap3A_1387 = vector.load %arg13[%swap3A_1385, %swap3A_1386] : memref<32x2304xf32, #tpu.memory_space<vmem>>, vector<1x2304xf32>
      tpu.vector_store %arg13[%swap3A_1385, %swap3A_1386], %mul3A_1384 {strides = array<i32>} : memref<32x2304xf32, #tpu.memory_space<vmem>>, vector<1x2304xf32>,
      %get3A_1388 = arith.constant 1 : index
      %get3A_1389 = arith.constant 13 : index
      %get3A_1390 = arith.constant 0 : index
      %get3A_1391 = vector.load %arg3[%get3A_1388, %get3A_1389, %get3A_1390] : memref<2x16x2304xf32, #tpu.memory_space<vmem>>, vector<1x1x2304xf32>
      %get3A_1392 = vector.shape_cast %get3A_1391 : vector<1x1x2304xf32> to vector<1x2304xf32>
      %mul3A_1393 = arith.mulf %mul3A_1378, %get3A_1392 : vector<1x2304xf32>
      %swap3A_1394 = arith.constant 29 : index
      %swap3A_1395 = arith.constant 0 : index
      %swap3A_1396 = vector.load %arg13[%swap3A_1394, %swap3A_1395] : memref<32x2304xf32, #tpu.memory_space<vmem>>, vector<1x2304xf32>
      tpu.vector_store %arg13[%swap3A_1394, %swap3A_1395], %mul3A_1393 {strides = array<i32>} : memref<32x2304xf32, #tpu.memory_space<vmem>>, vector<1x2304xf32>,
      %get3A_1397 = arith.constant 14 : index
      %get3A_1398 = arith.constant 0 : index
      %get3A_1399 = memref.load %arg10[%get3A_1397, %get3A_1398] : memref<16x9xf32, #tpu.memory_space<smem>>
      %mul3A_1400 = vector.broadcast %get3A_1399 : f32 to vector<1x2304xf32>
      %mul3A_1401 = arith.mulf %mul3A_1400, %get3A_51 : vector<1x2304xf32>
      %get3A_1402 = arith.constant 14 : index
      %get3A_1403 = arith.constant 3 : index
      %get3A_1404 = memref.load %arg10[%get3A_1402, %get3A_1403] : memref<16x9xf32, #tpu.memory_space<smem>>
      %mul3A_1405 = vector.broadcast %get3A_1404 : f32 to vector<1x2304xf32>
      %mul3A_1406 = arith.mulf %mul3A_1405, %get3A_54 : vector<1x2304xf32>
      %add3A_1407 = arith.addf %mul3A_1401, %mul3A_1406 : vector<1x2304xf32>
      %get3A_1408 = arith.constant 14 : index
      %get3A_1409 = arith.constant 6 : index
      %get3A_1410 = memref.load %arg10[%get3A_1408, %get3A_1409] : memref<16x9xf32, #tpu.memory_space<smem>>
      %mul3A_1411 = vector.broadcast %get3A_1410 : f32 to vector<1x2304xf32>
      %mul3A_1412 = arith.mulf %mul3A_1411, %get3A_57 : vector<1x2304xf32>
      %add3A_1413 = arith.addf %add3A_1407, %mul3A_1412 : vector<1x2304xf32>
      %get3A_1414 = arith.constant 14 : index
      %get3A_1415 = arith.constant 1 : index
      %get3A_1416 = memref.load %arg10[%get3A_1414, %get3A_1415] : memref<16x9xf32, #tpu.memory_space<smem>>
      %mul3A_1417 = vector.broadcast %get3A_1416 : f32 to vector<1x2304xf32>
      %mul3A_1418 = arith.mulf %mul3A_1417, %get3A_51 : vector<1x2304xf32>
      %get3A_1419 = arith.constant 14 : index
      %get3A_1420 = arith.constant 4 : index
      %get3A_1421 = memref.load %arg10[%get3A_1419, %get3A_1420] : memref<16x9xf32, #tpu.memory_space<smem>>
      %mul3A_1422 = vector.broadcast %get3A_1421 : f32 to vector<1x2304xf32>
      %mul3A_1423 = arith.mulf %mul3A_1422, %get3A_54 : vector<1x2304xf32>
      %add3A_1424 = arith.addf %mul3A_1418, %mul3A_1423 : vector<1x2304xf32>
      %get3A_1425 = arith.constant 14 : index
      %get3A_1426 = arith.constant 7 : index
      %get3A_1427 = memref.load %arg10[%get3A_1425, %get3A_1426] : memref<16x9xf32, #tpu.memory_space<smem>>
      %mul3A_1428 = vector.broadcast %get3A_1427 : f32 to vector<1x2304xf32>
      %mul3A_1429 = arith.mulf %mul3A_1428, %get3A_57 : vector<1x2304xf32>
      %add3A_1430 = arith.addf %add3A_1424, %mul3A_1429 : vector<1x2304xf32>
      %get3A_1431 = arith.constant 14 : index
      %get3A_1432 = arith.constant 2 : index
      %get3A_1433 = memref.load %arg10[%get3A_1431, %get3A_1432] : memref<16x9xf32, #tpu.memory_space<smem>>
      %mul3A_1434 = vector.broadcast %get3A_1433 : f32 to vector<1x2304xf32>
      %mul3A_1435 = arith.mulf %mul3A_1434, %get3A_51 : vector<1x2304xf32>
      %get3A_1436 = arith.constant 14 : index
      %get3A_1437 = arith.constant 5 : index
      %get3A_1438 = memref.load %arg10[%get3A_1436, %get3A_1437] : memref<16x9xf32, #tpu.memory_space<smem>>
      %mul3A_1439 = vector.broadcast %get3A_1438 : f32 to vector<1x2304xf32>
      %mul3A_1440 = arith.mulf %mul3A_1439, %get3A_54 : vector<1x2304xf32>
      %add3A_1441 = arith.addf %mul3A_1435, %mul3A_1440 : vector<1x2304xf32>
      %get3A_1442 = arith.constant 14 : index
      %get3A_1443 = arith.constant 8 : index
      %get3A_1444 = memref.load %arg10[%get3A_1442, %get3A_1443] : memref<16x9xf32, #tpu.memory_space<smem>>
      %mul3A_1445 = vector.broadcast %get3A_1444 : f32 to vector<1x2304xf32>
      %mul3A_1446 = arith.mulf %mul3A_1445, %get3A_57 : vector<1x2304xf32>
      %add3A_1447 = arith.addf %add3A_1441, %mul3A_1446 : vector<1x2304xf32>
      %mul3A_1448 = arith.mulf %add3A_1413, %add3A_1413 : vector<1x2304xf32>
      %mul3A_1449 = arith.mulf %add3A_1430, %add3A_1430 : vector<1x2304xf32>
      %add3A_1450 = arith.addf %mul3A_1448, %mul3A_1449 : vector<1x2304xf32>
      %mul3A_1451 = arith.mulf %add3A_1447, %add3A_1447 : vector<1x2304xf32>
      %add3A_1452 = arith.addf %add3A_1450, %mul3A_1451 : vector<1x2304xf32>
      %gt3A_1453 = arith.constant 0.000000e+00 : f32
      %gt3A_1454 = vector.broadcast %gt3A_1453 : f32 to vector<1x2304xf32>
      %gt3A_1455 = arith.cmpf ogt, %add3A_1452, %gt3A_1454 : vector<1x2304xf32>
      %mul3A_1456 = arith.constant -2.500000e-01 : f32
      %mul3A_1457 = vector.broadcast %mul3A_1456 : f32 to vector<1x2304xf32>
      %mul3A_1458 = arith.mulf %add3A_1452, %mul3A_1457 : vector<1x2304xf32>
      %exp3A_1459 = math.exp %mul3A_1458 : vector<1x2304xf32>
      %max3A_1460 = arith.constant 1.000000e-30 : f32
      %max3A_1461 = vector.broadcast %max3A_1460 : f32 to vector<1x2304xf32>
      %max3A_1462 = arith.maximumf %add3A_1452, %max3A_1461 : vector<1x2304xf32>
      %div3A_1463 = arith.divf %exp3A_1459, %max3A_1462 : vector<1x2304xf32>
      %broadcast_in_dim3A_1464 = arith.constant 0.000000e+00 : f32
      %broadcast_in_dim3A_1465 = vector.broadcast %broadcast_in_dim3A_1464 : f32 to vector<1x2304xf32>
      %select_n3A_1466 = arith.select %gt3A_1455, %div3A_1463, %broadcast_in_dim3A_1465 : vector<1x2304xi1>, vector<1x2304xf32>
      %get3A_1467 = arith.constant 14 : index
      %get3A_1468 = memref.load %arg11[%get3A_1467] : memref<16xf32, #tpu.memory_space<smem>>
      %get3A_1469 = arith.constant 0 : index
      %get3A_1470 = arith.constant 0 : index
      %get3A_1471 = vector.load %arg9[%get3A_1469, %get3A_1470] : memref<1x2304xf32, #tpu.memory_space<vmem>>, vector<1x2304xf32>
      %mul3A_1472 = vector.broadcast %get3A_1468 : f32 to vector<1x2304xf32>
      %mul3A_1473 = arith.mulf %mul3A_1472, %get3A_1471 : vector<1x2304xf32>
      %mul3A_1474 = arith.mulf %mul3A_1473, %select_n3A_1466 : vector<1x2304xf32>
      %get3A_1475 = arith.constant 0 : index
      %get3A_1476 = arith.constant 14 : index
      %get3A_1477 = arith.constant 0 : index
      %get3A_1478 = vector.load %arg3[%get3A_1475, %get3A_1476, %get3A_1477] : memref<2x16x2304xf32, #tpu.memory_space<vmem>>, vector<1x1x2304xf32>
      %get3A_1479 = vector.shape_cast %get3A_1478 : vector<1x1x2304xf32> to vector<1x2304xf32>
      %mul3A_1480 = arith.mulf %mul3A_1474, %get3A_1479 : vector<1x2304xf32>
      %swap3A_1481 = arith.constant 14 : index
      %swap3A_1482 = arith.constant 0 : index
      %swap3A_1483 = vector.load %arg13[%swap3A_1481, %swap3A_1482] : memref<32x2304xf32, #tpu.memory_space<vmem>>, vector<1x2304xf32>
      tpu.vector_store %arg13[%swap3A_1481, %swap3A_1482], %mul3A_1480 {strides = array<i32>} : memref<32x2304xf32, #tpu.memory_space<vmem>>, vector<1x2304xf32>,
      %get3A_1484 = arith.constant 1 : index
      %get3A_1485 = arith.constant 14 : index
      %get3A_1486 = arith.constant 0 : index
      %get3A_1487 = vector.load %arg3[%get3A_1484, %get3A_1485, %get3A_1486] : memref<2x16x2304xf32, #tpu.memory_space<vmem>>, vector<1x1x2304xf32>
      %get3A_1488 = vector.shape_cast %get3A_1487 : vector<1x1x2304xf32> to vector<1x2304xf32>
      %mul3A_1489 = arith.mulf %mul3A_1474, %get3A_1488 : vector<1x2304xf32>
      %swap3A_1490 = arith.constant 30 : index
      %swap3A_1491 = arith.constant 0 : index
      %swap3A_1492 = vector.load %arg13[%swap3A_1490, %swap3A_1491] : memref<32x2304xf32, #tpu.memory_space<vmem>>, vector<1x2304xf32>
      tpu.vector_store %arg13[%swap3A_1490, %swap3A_1491], %mul3A_1489 {strides = array<i32>} : memref<32x2304xf32, #tpu.memory_space<vmem>>, vector<1x2304xf32>,
      %get3A_1493 = arith.constant 15 : index
      %get3A_1494 = arith.constant 0 : index
      %get3A_1495 = memref.load %arg10[%get3A_1493, %get3A_1494] : memref<16x9xf32, #tpu.memory_space<smem>>
      %mul3A_1496 = vector.broadcast %get3A_1495 : f32 to vector<1x2304xf32>
      %mul3A_1497 = arith.mulf %mul3A_1496, %get3A_51 : vector<1x2304xf32>
      %get3A_1498 = arith.constant 15 : index
      %get3A_1499 = arith.constant 3 : index
      %get3A_1500 = memref.load %arg10[%get3A_1498, %get3A_1499] : memref<16x9xf32, #tpu.memory_space<smem>>
      %mul3A_1501 = vector.broadcast %get3A_1500 : f32 to vector<1x2304xf32>
      %mul3A_1502 = arith.mulf %mul3A_1501, %get3A_54 : vector<1x2304xf32>
      %add3A_1503 = arith.addf %mul3A_1497, %mul3A_1502 : vector<1x2304xf32>
      %get3A_1504 = arith.constant 15 : index
      %get3A_1505 = arith.constant 6 : index
      %get3A_1506 = memref.load %arg10[%get3A_1504, %get3A_1505] : memref<16x9xf32, #tpu.memory_space<smem>>
      %mul3A_1507 = vector.broadcast %get3A_1506 : f32 to vector<1x2304xf32>
      %mul3A_1508 = arith.mulf %mul3A_1507, %get3A_57 : vector<1x2304xf32>
      %add3A_1509 = arith.addf %add3A_1503, %mul3A_1508 : vector<1x2304xf32>
      %get3A_1510 = arith.constant 15 : index
      %get3A_1511 = arith.constant 1 : index
      %get3A_1512 = memref.load %arg10[%get3A_1510, %get3A_1511] : memref<16x9xf32, #tpu.memory_space<smem>>
      %mul3A_1513 = vector.broadcast %get3A_1512 : f32 to vector<1x2304xf32>
      %mul3A_1514 = arith.mulf %mul3A_1513, %get3A_51 : vector<1x2304xf32>
      %get3A_1515 = arith.constant 15 : index
      %get3A_1516 = arith.constant 4 : index
      %get3A_1517 = memref.load %arg10[%get3A_1515, %get3A_1516] : memref<16x9xf32, #tpu.memory_space<smem>>
      %mul3A_1518 = vector.broadcast %get3A_1517 : f32 to vector<1x2304xf32>
      %mul3A_1519 = arith.mulf %mul3A_1518, %get3A_54 : vector<1x2304xf32>
      %add3A_1520 = arith.addf %mul3A_1514, %mul3A_1519 : vector<1x2304xf32>
      %get3A_1521 = arith.constant 15 : index
      %get3A_1522 = arith.constant 7 : index
      %get3A_1523 = memref.load %arg10[%get3A_1521, %get3A_1522] : memref<16x9xf32, #tpu.memory_space<smem>>
      %mul3A_1524 = vector.broadcast %get3A_1523 : f32 to vector<1x2304xf32>
      %mul3A_1525 = arith.mulf %mul3A_1524, %get3A_57 : vector<1x2304xf32>
      %add3A_1526 = arith.addf %add3A_1520, %mul3A_1525 : vector<1x2304xf32>
      %get3A_1527 = arith.constant 15 : index
      %get3A_1528 = arith.constant 2 : index
      %get3A_1529 = memref.load %arg10[%get3A_1527, %get3A_1528] : memref<16x9xf32, #tpu.memory_space<smem>>
      %mul3A_1530 = vector.broadcast %get3A_1529 : f32 to vector<1x2304xf32>
      %mul3A_1531 = arith.mulf %mul3A_1530, %get3A_51 : vector<1x2304xf32>
      %get3A_1532 = arith.constant 15 : index
      %get3A_1533 = arith.constant 5 : index
      %get3A_1534 = memref.load %arg10[%get3A_1532, %get3A_1533] : memref<16x9xf32, #tpu.memory_space<smem>>
      %mul3A_1535 = vector.broadcast %get3A_1534 : f32 to vector<1x2304xf32>
      %mul3A_1536 = arith.mulf %mul3A_1535, %get3A_54 : vector<1x2304xf32>
      %add3A_1537 = arith.addf %mul3A_1531, %mul3A_1536 : vector<1x2304xf32>
      %get3A_1538 = arith.constant 15 : index
      %get3A_1539 = arith.constant 8 : index
      %get3A_1540 = memref.load %arg10[%get3A_1538, %get3A_1539] : memref<16x9xf32, #tpu.memory_space<smem>>
      %mul3A_1541 = vector.broadcast %get3A_1540 : f32 to vector<1x2304xf32>
      %mul3A_1542 = arith.mulf %mul3A_1541, %get3A_57 : vector<1x2304xf32>
      %add3A_1543 = arith.addf %add3A_1537, %mul3A_1542 : vector<1x2304xf32>
      %mul3A_1544 = arith.mulf %add3A_1509, %add3A_1509 : vector<1x2304xf32>
      %mul3A_1545 = arith.mulf %add3A_1526, %add3A_1526 : vector<1x2304xf32>
      %add3A_1546 = arith.addf %mul3A_1544, %mul3A_1545 : vector<1x2304xf32>
      %mul3A_1547 = arith.mulf %add3A_1543, %add3A_1543 : vector<1x2304xf32>
      %add3A_1548 = arith.addf %add3A_1546, %mul3A_1547 : vector<1x2304xf32>
      %gt3A_1549 = arith.constant 0.000000e+00 : f32
      %gt3A_1550 = vector.broadcast %gt3A_1549 : f32 to vector<1x2304xf32>
      %gt3A_1551 = arith.cmpf ogt, %add3A_1548, %gt3A_1550 : vector<1x2304xf32>
      %mul3A_1552 = arith.constant -2.500000e-01 : f32
      %mul3A_1553 = vector.broadcast %mul3A_1552 : f32 to vector<1x2304xf32>
      %mul3A_1554 = arith.mulf %add3A_1548, %mul3A_1553 : vector<1x2304xf32>
      %exp3A_1555 = math.exp %mul3A_1554 : vector<1x2304xf32>
      %max3A_1556 = arith.constant 1.000000e-30 : f32
      %max3A_1557 = vector.broadcast %max3A_1556 : f32 to vector<1x2304xf32>
      %max3A_1558 = arith.maximumf %add3A_1548, %max3A_1557 : vector<1x2304xf32>
      %div3A_1559 = arith.divf %exp3A_1555, %max3A_1558 : vector<1x2304xf32>
      %broadcast_in_dim3A_1560 = arith.constant 0.000000e+00 : f32
      %broadcast_in_dim3A_1561 = vector.broadcast %broadcast_in_dim3A_1560 : f32 to vector<1x2304xf32>
      %select_n3A_1562 = arith.select %gt3A_1551, %div3A_1559, %broadcast_in_dim3A_1561 : vector<1x2304xi1>, vector<1x2304xf32>
      %get3A_1563 = arith.constant 15 : index
      %get3A_1564 = memref.load %arg11[%get3A_1563] : memref<16xf32, #tpu.memory_space<smem>>
      %get3A_1565 = arith.constant 0 : index
      %get3A_1566 = arith.constant 0 : index
      %get3A_1567 = vector.load %arg9[%get3A_1565, %get3A_1566] : memref<1x2304xf32, #tpu.memory_space<vmem>>, vector<1x2304xf32>
      %mul3A_1568 = vector.broadcast %get3A_1564 : f32 to vector<1x2304xf32>
      %mul3A_1569 = arith.mulf %mul3A_1568, %get3A_1567 : vector<1x2304xf32>
      %mul3A_1570 = arith.mulf %mul3A_1569, %select_n3A_1562 : vector<1x2304xf32>
      %get3A_1571 = arith.constant 0 : index
      %get3A_1572 = arith.constant 15 : index
      %get3A_1573 = arith.constant 0 : index
      %get3A_1574 = vector.load %arg3[%get3A_1571, %get3A_1572, %get3A_1573] : memref<2x16x2304xf32, #tpu.memory_space<vmem>>, vector<1x1x2304xf32>
      %get3A_1575 = vector.shape_cast %get3A_1574 : vector<1x1x2304xf32> to vector<1x2304xf32>
      %mul3A_1576 = arith.mulf %mul3A_1570, %get3A_1575 : vector<1x2304xf32>
      %swap3A_1577 = arith.constant 15 : index
      %swap3A_1578 = arith.constant 0 : index
      %swap3A_1579 = vector.load %arg13[%swap3A_1577, %swap3A_1578] : memref<32x2304xf32, #tpu.memory_space<vmem>>, vector<1x2304xf32>
      tpu.vector_store %arg13[%swap3A_1577, %swap3A_1578], %mul3A_1576 {strides = array<i32>} : memref<32x2304xf32, #tpu.memory_space<vmem>>, vector<1x2304xf32>,
      %get3A_1580 = arith.constant 1 : index
      %get3A_1581 = arith.constant 15 : index
      %get3A_1582 = arith.constant 0 : index
      %get3A_1583 = vector.load %arg3[%get3A_1580, %get3A_1581, %get3A_1582] : memref<2x16x2304xf32, #tpu.memory_space<vmem>>, vector<1x1x2304xf32>
      %get3A_1584 = vector.shape_cast %get3A_1583 : vector<1x1x2304xf32> to vector<1x2304xf32>
      %mul3A_1585 = arith.mulf %mul3A_1570, %get3A_1584 : vector<1x2304xf32>
      %swap3A_1586 = arith.constant 31 : index
      %swap3A_1587 = arith.constant 0 : index
      %swap3A_1588 = vector.load %arg13[%swap3A_1586, %swap3A_1587] : memref<32x2304xf32, #tpu.memory_space<vmem>>, vector<1x2304xf32>
      tpu.vector_store %arg13[%swap3A_1586, %swap3A_1587], %mul3A_1585 {strides = array<i32>} : memref<32x2304xf32, #tpu.memory_space<vmem>>, vector<1x2304xf32>,
    } else {
    }
    %get3A = arith.constant 0 : index
    %get3A_2 = arith.constant 0 : index
    %get3A_3 = vector.load %arg4[%get3A, %get3A_2] : memref<512x1xi32, #tpu.memory_space<vmem>>, vector<512x1xi32>
    %get3A_4 = arith.constant 0 : index
    %get3A_5 = arith.constant 0 : index
    %get3A_6 = vector.load %arg5[%get3A_4, %get3A_5] : memref<512x1xf32, #tpu.memory_space<vmem>>, vector<512x1xf32>
    %iota3A = tpu.iota {dimensions = array<i32: 1>} : vector<1x16xi32>
    %eq3A_7 = vector.broadcast %get3A_3 : vector<512x1xi32> to vector<512x16xi32>
    %eq3A_8 = vector.broadcast %iota3A : vector<1x16xi32> to vector<512x16xi32>
    %eq3A_9 = arith.cmpi eq, %eq3A_7, %eq3A_8 : vector<512x16xi32>
    %convert_element_type3A_10 = arith.extui %eq3A_9 : vector<512x16xi1> to vector<512x16xi32>
    %convert_element_type3A_11 = arith.sitofp %convert_element_type3A_10 : vector<512x16xi32> to vector<512x16xf32>
    %get3A_12 = arith.constant 0 : index
    %get3A_13 = arith.constant 0 : index
    %get3A_14 = vector.load %arg1[%get3A_12, %get3A_13] : memref<512x2304xbf16, #tpu.memory_space<vmem>>, vector<512x2304xbf16>
    %get3A_15 = arith.constant 0 : index
    %get3A_16 = arith.constant 0 : index
    %get3A_17 = vector.load %arg13[%get3A_15, %get3A_16] : memref<32x2304xf32, #tpu.memory_space<vmem>>, vector<16x2304xf32>
    %convert_element_type3A_18 = arith.truncf %get3A_17 : vector<16x2304xf32> to vector<16x2304xbf16>
    %dot_general3A = arith.constant dense<0.000000e+00> : vector<512x16xf32>
    %dot_general3A_19 = tpu.matmul %get3A_14, %convert_element_type3A_18, %dot_general3A {dimension_numbers = #tpu.dot_dimension_numbers<[1], [1], [0], [0], [0, 0, 1, 0], [], []>, transpose_lhs_hint = false} : vector<512x2304xbf16>, vector<16x2304xbf16>, vector<512x16xf32> -> vector<512x16xf32>
    %get3A_20 = arith.constant 0 : index
    %get3A_21 = arith.constant 0 : index
    %get3A_22 = vector.load %arg2[%get3A_20, %get3A_21] : memref<512x2304xbf16, #tpu.memory_space<vmem>>, vector<512x2304xbf16>
    %get3A_23 = arith.constant 16 : index
    %get3A_24 = arith.constant 0 : index
    %get3A_25 = vector.load %arg13[%get3A_23, %get3A_24] : memref<32x2304xf32, #tpu.memory_space<vmem>>, vector<16x2304xf32>
    %convert_element_type3A_26 = arith.truncf %get3A_25 : vector<16x2304xf32> to vector<16x2304xbf16>
    %dot_general3A_27 = arith.constant dense<0.000000e+00> : vector<512x16xf32>
    %dot_general3A_28 = tpu.matmul %get3A_22, %convert_element_type3A_26, %dot_general3A_27 {dimension_numbers = #tpu.dot_dimension_numbers<[1], [1], [0], [0], [0, 0, 1, 0], [], []>, transpose_lhs_hint = false} : vector<512x2304xbf16>, vector<16x2304xbf16>, vector<512x16xf32> -> vector<512x16xf32>
    %add3A = arith.addf %dot_general3A_19, %dot_general3A_28 : vector<512x16xf32>
    %mul3A = arith.mulf %convert_element_type3A_11, %add3A : vector<512x16xf32>
    %reduce_sum3A = arith.constant dense<0.000000e+00> : vector<512xf32>
    %reduce_sum3A_29 = vector.multi_reduction <add>, %mul3A, %reduce_sum3A [1] : vector<512x16xf32> to vector<512xf32>
    %broadcast_in_dim3A = vector.shape_cast %reduce_sum3A_29 : vector<512xf32> to vector<512x1xf32>
    %get3A_30 = arith.constant 0 : index
    %get3A_31 = arith.constant 0 : index
    %get3A_32 = vector.load %arg7[%get3A_30, %get3A_31] : memref<512x2xf32, #tpu.memory_space<vmem>>, vector<512x1xf32>
    %get3A_33 = arith.constant 0 : index
    %get3A_34 = arith.constant 1 : index
    %get3A_35 = vector.load %arg7[%get3A_33, %get3A_34] : memref<512x2xf32, #tpu.memory_space<vmem>>, vector<512x1xf32>
    %add3A_36 = arith.addf %get3A_32, %get3A_35 : vector<512x1xf32>
    %get3A_37 = arith.constant 0 : index
    %get3A_38 = arith.constant 0 : index
    %get3A_39 = vector.load %arg6[%get3A_37, %get3A_38] : memref<512x1xf32, #tpu.memory_space<vmem>>, vector<512x1xf32>
    %add3A_40 = arith.addf %get3A_39, %add3A_36 : vector<512x1xf32>
    %mul3A_41 = arith.mulf %get3A_6, %broadcast_in_dim3A : vector<512x1xf32>
    %add3A_42 = arith.addf %add3A_40, %mul3A_41 : vector<512x1xf32>
    %mul3A_43 = arith.constant 8.124130e+00 : f32
    %mul3A_44 = vector.broadcast %mul3A_43 : f32 to vector<512x1xf32>
    %mul3A_45 = arith.mulf %mul3A_44, %get3A_6 : vector<512x1xf32>
    %mul3A_46 = arith.mulf %mul3A_45, %get3A_6 : vector<512x1xf32>
    %sub3A = arith.subf %add3A_42, %mul3A_46 : vector<512x1xf32>
    %swap3A = arith.constant 0 : index
    %swap3A_47 = arith.constant 0 : index
    %swap3A_48 = vector.load %arg12[%swap3A, %swap3A_47] : memref<512x1xf32, #tpu.memory_space<vmem>>, vector<512x1xf32>
    tpu.vector_store %arg12[%swap3A, %swap3A_47], %sub3A {strides = array<i32>} : memref<512x1xf32, #tpu.memory_space<vmem>>, vector<512x1xf32>,
    return
  }
  func.func @transform_0(%arg0: i32) -> (i32, i32) {
    %c0_i32 = arith.constant 0 : i32
    %c0_i32_0 = arith.constant 0 : i32
    return %arg0, %c0_i32 : i32, i32
  }
  func.func @transform_1(%arg0: i32) -> (i32, i32) {
    %c0_i32 = arith.constant 0 : i32
    %c0_i32_0 = arith.constant 0 : i32
    return %arg0, %c0_i32 : i32, i32
  }
  func.func @transform_2(%arg0: i32) -> (i32, i32, i32) {
    %c0_i32 = arith.constant 0 : i32
    %c0_i32_0 = arith.constant 0 : i32
    %c0_i32_1 = arith.constant 0 : i32
    %c0_i32_2 = arith.constant 0 : i32
    return %c0_i32, %c0_i32_0, %c0_i32_1 : i32, i32, i32
  }
  func.func @transform_3(%arg0: i32) -> (i32, i32) {
    %c0_i32 = arith.constant 0 : i32
    %c0_i32_0 = arith.constant 0 : i32
    return %arg0, %c0_i32 : i32, i32
  }
  func.func @transform_4(%arg0: i32) -> (i32, i32) {
    %c0_i32 = arith.constant 0 : i32
    %c0_i32_0 = arith.constant 0 : i32
    return %arg0, %c0_i32 : i32, i32
  }
  func.func @transform_5(%arg0: i32) -> (i32, i32) {
    %c0_i32 = arith.constant 0 : i32
    %c0_i32_0 = arith.constant 0 : i32
    return %arg0, %c0_i32 : i32, i32
  }
  func.func @transform_6(%arg0: i32) -> (i32, i32) {
    %c0_i32 = arith.constant 0 : i32
    %c0_i32_0 = arith.constant 0 : i32
    return %arg0, %c0_i32 : i32, i32
  }
  func.func @transform_7(%arg0: i32) -> (i32, i32) {
    %c0_i32 = arith.constant 0 : i32
    %c0_i32_0 = arith.constant 0 : i32
    %c0_i32_1 = arith.constant 0 : i32
    return %c0_i32, %c0_i32_0 : i32, i32
  }
  func.func @transform_8(%arg0: i32) -> (i32, i32) {
    %c0_i32 = arith.constant 0 : i32
    %c0_i32_0 = arith.constant 0 : i32
    %c0_i32_1 = arith.constant 0 : i32
    return %c0_i32, %c0_i32_0 : i32, i32
  }
  func.func @transform_9(%arg0: i32) -> (i32, i32) {
    %c0_i32 = arith.constant 0 : i32
    %c0_i32_0 = arith.constant 0 : i32
    %c0_i32_1 = arith.constant 0 : i32
    return %c0_i32, %c0_i32_0 : i32, i32
  }
  func.func @transform_10(%arg0: i32) -> i32 {
    %c0_i32 = arith.constant 0 : i32
    %c0_i32_0 = arith.constant 0 : i32
    return %c0_i32 : i32
  }
  func.func @transform_11(%arg0: i32) -> (i32, i32) {
    %c0_i32 = arith.constant 0 : i32
    %c0_i32_0 = arith.constant 0 : i32
    return %arg0, %c0_i32 : i32, i32
  }
}

</mosaic_0001>

<sc_bundles>
// kernel: kernel.5.cloned.1.call-start
scs
__scs_entry_jumppad:
0x0: {  	(pc) =	sbr.rel $0x88, $3  }
0x1: {  	(tag) =	ssettag $0x0;
	lr =	simm.s32 $0x1  }
0x2: {  	[smem:$0x3F9A] =	sst lr;
	_ =	strace $0xD0000000  }
0x3: {  	_ = 	snop  }
0x4: {  	_ = 	snop  }
0x5: {  	_ = 	snop  }
0x6: {  	_ = 	snop  }
0x7: {  	_ = 	snop  }
__scs_overlays_trampoline_lowered:
0x8: {  	[smem:$0x3FA9] =	sst s0  }
0x9: {  	[smem:$0x3FAA] =	sst s1  }
0xa: {  	[smem:$0x3FAB] =	sst s2  }
0xb: {  	[smem:$0x3FAC] =	sst s3  }
0xc: {  	[smem:$0x3FAD] =	sst s4  }
0xd: {  	[smem:$0x3FAE] =	sst s5  }
0xe: {  	[smem:$0x3FAF] =	sst s6  }
0xf: {  	[smem:$0x3FB0] =	sst s7  }
0x10: {  	[smem:$0x3FB1] =	sst s8  }
0x11: {  	[smem:$0x3FB2] =	sst s9;
	s0 =	simm.s32 @!p0 $0x0  }
0x12: {  	s1 =	sld [smem:$0x3F98];
	s0 =	simm.s32 @p0 $0x1  }
0x13: {  	[smem:$0x3FB3] =	sst s0;
	s0 =	simm.s32 @!p1 $0x0  }
0x14: {  	s2 =	sld [smem:$0x3F97];
	s0 =	simm.s32 @p1 $0x1  }
0x15: {  	[smem:$0x3FB4] =	sst s0;
	s0 =	simm.s32 @!p2 $0x0  }
0x16: {  	s3 =	sld [smem:$0x3FDB];
	s0 =	simm.s32 @p2 $0x1  }
0x17: {  	s4 =	simm.s32 $0x1BF5;
	[smem:$0x3FB6] =	sst s0  }
0x18: {  	s0 =	sld [smem:$0x3F99];
	_ =	swait.ge [sflag:s4], $0x0  }
0x19: {  	s7 =	sld [smem:$0x3F9A]  }
0x1a: {  	s8 =	sadd.s32 $0xFFFFE003, lr  }
0x1b: {  	s9 =	sadd.s32 $0xFFFFFEF7, lr;
	s5 =	simm.s32 $0xFFFFFFFF;
	p2 =	slt.u32 s8, $0xFFFFF086  }
0x1c: {  	p1 =	slt.u32 s9, $0xF7A;
	s5 =	simm.s32 @!p2 $0x0  }
0x1d: {  	s5 =	simm.s32 @p1 $0x1;
	p0 =	seq.s32 s7, s2  }
0x1e: {  	s7 =	smul.u32 @!p0 $0xF7A, s2;
	p2 =	seq.s32 @!p0 s5, $0x0  }
0x1f: {  	s9 =	smul.u32 $0xF7A, s1;
	s8 =	simm.s32 @!p0 $0x1BF5;
	p2 =	por !p2, p0  }
0x20: {  	[sflag:s8] =	ssyncset.s32 @!p0 $0xFFFFF086;
	s6 =	sadd.s32 @!p0 s3, s7;
	s7 =	simm.s32 @!p0 $0x108  }
0x21: {  	s3 =	sadd.s32 s3, s9;
	s6 =	sadd.s32 @!p0 $0x88, s6;
	s7 =	simm.s32 @p2 $0x1082  }
0x22: {  	[simem:s7], [sflag:s8] =	dma.local @!p0 [hbm:s6], $0xF7A  }
0x23: {  	s9 =	sor.u32 $0xD0000000, s2;
	s6 =	simm.s32 $0x108;
	_ =	swait.ge @!p0 [sflag:s8], $0x0  }
0x24: {  	s3 =	sadd.s32 $0x88, s3;
	s6 =	simm.s32 @!p1 $0x1082;
	[sflag:s4] =	ssyncset.s32 $0xFFFFF086  }
0x25: {  	[simem:s6], [sflag:s4] =	dma.local [hbm:s3], $0xF7A  }
0x26: {  	[smem:$0x3F9A] =	sst s1;
	(tag) =	ssettag s2;
	_ =	strace s9  }
0x27: {  	s1 =	sld [smem:$0x3FAA]  }
0x28: {  	s2 =	sld [smem:$0x3FAB]  }
0x29: {  	s4 =	sld [smem:$0x3FAD]  }
0x2a: {  	p0 =	seq.s32 s5, $0x0;
	s5 =	sld [smem:$0x3FAE]  }
0x2b: {  	s6 =	sld [smem:$0x3FAF]  }
0x2c: {  	s7 =	sld [smem:$0x3FB0]  }
0x2d: {  	s3 =	simm.s32 $0x108;
	s8 =	sld [smem:$0x3FB1]  }
0x2e: {  	s3 =	simm.s32 @!p0 $0x1082;
	s9 =	sld [smem:$0x3FB2]  }
0x2f: {  	lr =	sadd.s32 s0, s3;
	s0 =	sld [smem:$0x3FA9]  }
0x30: {  	s3 =	sld [smem:$0x3FAC]  }
0x31: {  	[smem:$0x3FB5] =	sst s10  }
0x32: {  	s10 =	sld [smem:$0x3FB3];
	_ =	sdelay $0x3  }
0x33: {  	p0 =	seq.s32 s10, $0x1;
	s10 =	sld [smem:$0x3FB5];
	_ =	sdelay $0x3  }
0x34: {  	[smem:$0x3FB5] =	sst s10  }
0x35: {  	s10 =	sld [smem:$0x3FB4];
	_ =	sdelay $0x3  }
0x36: {  	p1 =	seq.s32 s10, $0x1;
	s10 =	sld [smem:$0x3FB5];
	_ =	sdelay $0x3  }
0x37: {  	[smem:$0x3FB5] =	sst s10  }
0x38: {  	s10 =	sld [smem:$0x3FB6]  }
0x39: {  	_ = 	snop;
	(pc) =	sbr.ind lr, $3  }
0x3a: {  	_ = 	snop  }
0x3b: {  	_ = 	snop  }
0x3c: {  	p2 =	seq.s32 s10, $0x1;
	s10 =	sld [smem:$0x3FB5]  }
0x3d: {  	_ =	shalt  }
0x3e: {  	_ =	shalt  }
0x3f: {  	_ =	shalt  }
0x40: {  	_ =	shalt  }
0x41: {  	_ =	shalt  }
0x42: {  	_ =	shalt  }
0x43: {  	_ =	shalt  }
0x44: {  	_ =	shalt  }
0x45: {  	_ =	shalt  }
0x46: {  	_ =	shalt  }
0x47: {  	_ =	shalt  }
0x48: {  	_ =	shalt  }
0x49: {  	_ =	shalt  }
0x4a: {  	_ =	shalt  }
0x4b: {  	_ =	shalt  }
0x4c: {  	_ =	shalt  }
0x4d: {  	_ =	shalt  }
0x4e: {  	_ =	shalt  }
0x4f: {  	_ =	shalt  }
0x50: {  	_ =	shalt  }
0x51: {  	_ =	shalt  }
0x52: {  	_ =	shalt  }
0x53: {  	_ =	shalt  }
0x54: {  	_ =	shalt  }
0x55: {  	_ =	shalt  }
0x56: {  	_ =	shalt  }
0x57: {  	_ =	shalt  }
0x58: {  	_ =	shalt  }
0x59: {  	_ =	shalt  }
0x5a: {  	_ =	shalt  }
0x5b: {  	_ =	shalt  }
0x5c: {  	_ =	shalt  }
0x5d: {  	_ =	shalt  }
0x5e: {  	_ =	shalt  }
0x5f: {  	_ =	shalt  }
0x60: {  	_ =	shalt  }
0x61: {  	_ =	shalt  }
0x62: {  	_ =	shalt  }
0x63: {  	_ =	shalt  }
0x64: {  	_ =	shalt  }
0x65: {  	_ =	shalt  }
0x66: {  	_ =	shalt  }
0x67: {  	_ =	shalt  }
0x68: {  	_ =	shalt  }
0x69: {  	_ =	shalt  }
0x6a: {  	_ =	shalt  }
0x6b: {  	_ =	shalt  }
0x6c: {  	_ =	shalt  }
0x6d: {  	_ =	shalt  }
0x6e: {  	_ =	shalt  }
0x6f: {  	_ =	shalt  }
0x70: {  	_ =	shalt  }
0x71: {  	_ =	shalt  }
0x72: {  	_ =	shalt  }
0x73: {  	_ =	shalt  }
0x74: {  	_ =	shalt  }
0x75: {  	_ =	shalt  }
0x76: {  	_ =	shalt  }
0x77: {  	_ =	shalt  }
0x78: {  	_ =	shalt  }
0x79: {  	_ =	shalt  }
0x7a: {  	_ =	shalt  }
0x7b: {  	_ =	shalt  }
0x7c: {  	_ =	shalt  }
0x7d: {  	_ =	shalt  }
0x7e: {  	_ =	shalt  }
0x7f: {  	_ =	shalt  }
0x80: {  	_ =	shalt  }
0x81: {  	_ =	shalt  }
0x82: {  	_ =	shalt  }
0x83: {  	_ =	shalt  }
0x84: {  	_ =	shalt  }
0x85: {  	_ =	shalt  }
0x86: {  	_ =	shalt  }
0x87: {  	_ =	shalt  }
.Lfunc_end0:
.L_simem_size_0:
called_computation_lowered:
.L_overlay_start_0:
0x88: {  	s2 =	sld [smem:$0x3FD9]  }
0x89: {  	s3 =	sld [smem:$0x3FFE];
	_ =	sdelay $0x1  }
0x8a: {  	s1 =	srdreg.scid  }
0x8b: {  	s0 =	sand.u32 $0x1, s1  }
0x8c: {  	s17 =	sshll.u32 s0, $0xA;
	s2 =	sadd.s32 s3, s2  }
0x8d: {  	s2 =	sadd.s32 s2, s17  }
0x8e: {  	[smem:$0x3FC1] =	sst s2  }
0x8f: {  	_ = 	snop  }
0x90: {  	s2 =	sld [smem:$0x3FD0];
	(tm) =	ssettm $0x1  }
0x91: {  	s18 =	sld [smem:$0x3FFB];
	_ =	sdelay $0x3  }
0x92: {  	_ =	strace s18  }
0x93: {  	s3 =	sld [smem:$0x3FFC];
	_ =	sdelay $0x3  }
0x94: {  	_ =	strace s3  }
0x95: {  	s3 =	sld [smem:$0x3FFD];
	_ =	sdelay $0x3  }
0x96: {  	_ =	strace s3  }
0x97: {  	_ =	strace $0x8FFFFFFF  }
0x98: {  	s19 =	sld [smem:$0x3FDB];
	_ =	sdelay $0x1  }
0x99: {  	s4 =	simm.s32 $_scs_section_size  }
0x9a: {  	s5 =	simm.s32 $_size__tile_overlayer_lowered;
	s6 =	simm.s32 $_tile_overlayer_lowered  }
0x9b: {  	s22 =	simm.s32 $0x1BFF;
	s21 =	sshll.u32 s6, $0x1;
	s3 =	sadd.s32 s4, s19  }
0x9c: {  	s7 =	simm.s32 $0x0;
	s20 =	sshll.u32 s5, $0x1;
	s5 =	sadd.s32 s21, s3  }
0x9d: {  	[timem:s7], [sflag:s22] =	dma.local [hbm:s5], s20  }
0x9e: {  	_ =	swait.ge [sflag:s22], s20  }
0x9f: {  	s4 =	ssub.s32 $0x0, s20;
	[sflag:s22] =	ssyncset.done $0x0  }
0xa0: {  	[sflag:s22] =	ssyncadd.s32 s4;
	_ =	sdelay $0x1  }
0xa1: {  	s23 =	simm.s32 $0x1B8B  }
0xa2: {  	_ =	swait.ge [sflag:s23], $0x1  }
0xa3: {  	[sflag:s23] =	ssyncset.done $0x0  }
0xa4: {  	s25 =	simm.s32 $0x1B8E;
	s24 =	sld [smem:$0x3FFE];
	[sflag:s23] =	ssyncadd.s32 $0xFFFFFFFF  }
0xa5: {  	s26 =	simm.s32 $execute0_lowered;
	[smem:$0x3FD2] =	sst s25  }
0xa6: {  	s5 =	sshll.u32 s26, $0x1;
	_ =	strace $0x80000046;
	[dreg:$0x1] =	wrdreg $0xFFFFFFFF  }
0xa7: {  	s28 =	simm.s32 $_size_execute0_lowered;
	s3 =	sadd.s32 s3, s5;
	[dreg:$0x0] =	wrdreg $0x0  }
0xa8: {  	s5 =	sshll.u32 s28, $0x1;
	[dreg:$0x2] =	wrdreg s3  }
0xa9: {  	[dreg:$0x3] =	wrdreg s5  }
0xaa: {  	[dreg:$0x4] =	wrdreg $0xC0  }
0xab: {  	_ =	task [dreg:s7], $0x5FFFF  }
0xac: {  	[dreg:$0x1] =	wrdreg $0xFFFFFFFF  }
0xad: {  	[dreg:$0x0] =	wrdreg $0x60  }
0xae: {  	[dreg:$0x2] =	wrdreg s24  }
0xaf: {  	[dreg:$0x3] =	wrdreg s2  }
0xb0: {  	[dreg:$0x4] =	wrdreg $0x16A800  }
0xb1: {  	[dreg:$0x5] =	wrdreg $0x9  }
0xb2: {  	_ =	task.clear_ibuf [dreg:s7], $0x6FFFF;
	_ =	strace $0x90000046  }
0xb3: {  	s29 =	simm.s32 $0x9;
	_ =	strace $0x80000048  }
0xb4: {  	_ =	swait.ge [sflag:s29], $0x1  }
0xb5: {  	[sflag:s29] =	ssyncadd.s32 $0xFFFFFFFF  }
0xb6: {  	_ =	strace $0x90000048  }
0xb7: {  	_ =	sfence  }
0xb8: {  	s30 =	sld [smem:$0x0];
	_ =	sdelay $0x2  }
0xb9: {  	s31 =	sshll.u32 s1, $0xD;
	s1 =	sshrl.u32 s1, $0x2  }
0xba: {  	s3 =	sand.u32 $0x4000, s31;
	s1 =	sadd.s32 s1, s30  }
0xbb: {  	s0 =	sor.u32 s3, s0;
	s1 =	sshll.u32 s1, $0x11  }
0xbc: {  	s0 =	sor.u32 s1, s0  }
0xbd: {  	s0 =	sadd.s32 $0x8F2B, s0  }
0xbe: {  	[sflag:s0] =	ssyncadd.remote.s32 $0x1  }
0xbf: {  	_ =	sfence.sel $0xFFFF  }
0xc0: {  	[dreg:$0x0] =	wrdreg $0xFFFFFFFF;
	(pc) =	sbr.abs _section_cstart, $3  }
0xc1: {  	[dreg:$0x1] =	wrdreg $0xFFFFFFFF  }
0xc2: {  	_ =	task.clear_ibuf [dreg:s7], $0x2FFFF;
	_ =	strace $0x9FFFFFFF  }
0xc3: {  	(tm) =	ssettm $0x7FFFFFFF  }
tec
execute0_lowered:
.L_overlay_start_1:
0x0: {  	(tag) =	ssettag $0x1  }
0x1: {  	s4 =	rddreg [dreg:$0x0]  }
0x2: {  	s0 =	srdreg.scid;
	s1 =	rddreg [dreg:$0x1]  }
0x3: {  	s15 =	stileid.u32;
	s2 =	rddreg [dreg:$0x2]  }
0x4: {  	s3 =	simm.s32 $0x0;
	s11 =	simm.s32 $0x1;
	s12 =	simm.s32 $0x5000  }
0x5: {  	s13 =	simm.s32 $0xA000;
	s5 =	sand.u32 $0x1, s0;
	s0 =	rddreg [dreg:$0x3]  }
0x6: {  	s14 =	simm.s32 $0x14000;
	s17 =	simm.s32 $0x0;
	[smem:$0x7FF] =	sst s3  }
0x7: {  	s8 =	smul.u32 $0xA00, s15;
	p0 =	sne.s32 s15, $0x0;
	s6 =	sshll.u32 s5, $0x4  }
0x8: {  	s5 =	ssub.s32 $0x2, s5;
	_ =	strace $0x80000047;
	s16 =	sshrl.u32 @!p0 s2, $0x3  }
0x9: {  	s7 =	sor.u32 s15, s6;
	s9 =	sshrl.u32 s5, $0x1;
	s10 =	sadd.s32 s6, s4  }
0xa: {  	s31 =	sshrl.u32 s8, $0x2;
	s15 =	simm.s32 $0x80;
	s7 =	smul.u32 $0xA00, s7  }
0xb: {  	s9 =	ssub.s32 s5, s9;
	s8 =	sadd.s32 $0x3DC00, s10;
	s10 =	simm.s32 $0x16800  }
0xc: {  	s9 =	smax.u32 s9, $0x1;
	s7 =	sadd.s32 s7, s4;
	s4 =	sadd.s32 s31, s2  }
0xd: {  	v0 =	vimm.f32 $0.0e+00;
	s5 =	sadd.s32 $0x1C00, s7;
	s6 =	sadd.s32 $0x15C00, s7;
	s7 =	sadd.s32 $0x29C00, s7  }
.LBB2_1:
0xe: {  	[tilespmem:$0x16800] =	vst v0  }
0xf: {  	[tilespmem:$0x16810] =	vst v0  }
0x10: {  	[tilespmem:$0x16820] =	vst v0  }
0x11: {  	[tilespmem:$0x16830] =	vst v0  }
0x12: {  	[tilespmem:$0x16840] =	vst v0  }
0x13: {  	[tilespmem:$0x16850] =	vst v0  }
0x14: {  	[tilespmem:$0x16860] =	vst v0  }
0x15: {  	[tilespmem:$0x16870] =	vst v0  }
0x16: {  	[tilespmem:$0x16880] =	vst v0  }
0x17: {  	[tilespmem:$0x16890] =	vst v0  }
0x18: {  	[tilespmem:$0x168A0] =	vst v0  }
0x19: {  	[tilespmem:$0x168B0] =	vst v0  }
0x1a: {  	[tilespmem:$0x168C0] =	vst v0  }
0x1b: {  	[tilespmem:$0x168D0] =	vst v0  }
0x1c: {  	[tilespmem:$0x168E0] =	vst v0  }
0x1d: {  	[tilespmem:$0x168F0] =	vst v0  }
0x1e: {  	[tilespmem:$0x16900] =	vst v0  }
0x1f: {  	[tilespmem:$0x16910] =	vst v0  }
0x20: {  	[tilespmem:$0x16920] =	vst v0  }
0x21: {  	[tilespmem:$0x16930] =	vst v0  }
0x22: {  	[tilespmem:$0x16940] =	vst v0  }
0x23: {  	[tilespmem:$0x16950] =	vst v0  }
0x24: {  	[tilespmem:$0x16960] =	vst v0  }
0x25: {  	[tilespmem:$0x16970] =	vst v0  }
0x26: {  	[tilespmem:$0x16980] =	vst v0  }
0x27: {  	[tilespmem:$0x16990] =	vst v0  }
0x28: {  	[tilespmem:$0x169A0] =	vst v0  }
0x29: {  	[tilespmem:$0x169B0] =	vst v0  }
0x2a: {  	[tilespmem:$0x169C0] =	vst v0  }
0x2b: {  	[tilespmem:$0x169D0] =	vst v0  }
0x2c: {  	[tilespmem:$0x169E0] =	vst v0  }
0x2d: {  	[tilespmem:$0x169F0] =	vst v0  }
0x2e: {  	[tilespmem:$0x16A00] =	vst v0  }
0x2f: {  	[tilespmem:$0x16A10] =	vst v0  }
0x30: {  	[tilespmem:$0x16A20] =	vst v0  }
0x31: {  	[tilespmem:$0x16A30] =	vst v0  }
0x32: {  	[tilespmem:$0x16A40] =	vst v0  }
0x33: {  	[tilespmem:$0x16A50] =	vst v0  }
0x34: {  	[tilespmem:$0x16A60] =	vst v0  }
0x35: {  	[tilespmem:$0x16A70] =	vst v0  }
0x36: {  	[spmem:s4] =	stream.linear.scatter [tilespmem:s10], [sflag:$0x1], $0x280, $0x38;
	[tilespmem:$0x16D00] =	vst v63  }
0x37: {  	_ =	swait.ge [sflag:s11], $0x280  }
0x38: {  	[sflag:s11] =	ssyncset.done $0x0  }
0x39: {  	[sflag:s11] =	ssyncadd.s32 $0xFFFFFD80  }
0x3a: {  	[tilespmem:s3], [sflag:$0x1] =	stream.linear.gather [hbm4b:s5+s3], $0x4E80, $0x38;
	[tilespmem:$0x16D00] =	vst v63  }
0x3b: {  	_ =	swait.ge [sflag:s11], $0x4E80  }
0x3c: {  	[sflag:s11] =	ssyncset.done $0x0  }
0x3d: {  	[sflag:s11] =	ssyncadd.s32 $0xFFFFB180  }
0x3e: {  	[tilespmem:s12], [sflag:$0x1] =	stream.linear.gather [hbm4b:s6+s3], $0x4E80, $0x38;
	[tilespmem:$0x16D00] =	vst v63  }
0x3f: {  	_ =	swait.ge [sflag:s11], $0x4E80  }
0x40: {  	[sflag:s11] =	ssyncset.done $0x0  }
0x41: {  	[sflag:s11] =	ssyncadd.s32 $0xFFFFB180  }
0x42: {  	[tilespmem:s13], [sflag:$0x1] =	stream.linear.gather [hbm4b:s7+s3], $0x4E80, $0x38;
	[tilespmem:$0x16D00] =	vst v63  }
0x43: {  	_ =	swait.ge [sflag:s11], $0x4E80  }
0x44: {  	[sflag:s11] =	ssyncset.done $0x0  }
0x45: {  	[sflag:s11] =	ssyncadd.s32 $0xFFFFB180  }
0x46: {  	[tilespmem:s14], [sflag:$0x1] =	stream.linear.gather [hbm4b:s1+s3], $0x2800, $0x38;
	[tilespmem:$0x16D00] =	vst v63  }
0x47: {  	_ =	swait.ge [sflag:s11], $0x2800  }
0x48: {  	[sflag:s11] =	ssyncset.done $0x0  }
0x49: {  	s20 =	simm.s32 $0x0;
	[sflag:s11] =	ssyncadd.s32 $0xFFFFD800  }
0x4a: {  	v3 =	vld [tilespmem:s20+$0xA000];
	_ =	sdelay $0x4  }
0x4b: {  	v1 =	vmul.f32 $3.275910910e-01, v3;
	_ =	sdelay $0x1  }
0x4c: {  	v1 =	vadd.f32 $1.000000000e+00, v1;
	_ =	sdelay $0x1  }
0x4d: {  	(erf) = vrcp.f32 v1;
	_ =	sdelay $0x4  }
0x4e: {  	s19 =	simm.s32 $0x10  }
0x4f: {  	v1 =	vld [tilespmem:s19+$0xA000];
	_ =	sdelay $0x2  }
0x50: {  	v4 =	vpop (erf)  }
0x51: {  	v2 =	vmul.f32 $1.061405420e+00, v4  }
0x52: {  	v8 =	vmul.f32 $3.275910910e-01, v1  }
0x53: {  	v5 =	vld [tilespmem:s20+$0x0];
	v6 =	vsub.f32 $0.0e+00, v3;
	v2 =	vadd.f32 $-1.453152060e+00, v2  }
0x54: {  	v7 =	vld [tilespmem:s20+$0x5000];
	v8 =	vadd.f32 $1.000000000e+00, v8  }
0x55: {  	v6 =	vmul.f32 v6, v3;
	v2 =	vmul.f32 v2, v4  }
0x56: {  	(erf) = vrcp.f32 v8  }
0x57: {  	v9 =	vmul.f32 $1.442695020e+00, v6;
	v2 =	vadd.f32 $1.421413780e+00, v2;
	_ =	sdelay $0x1  }
0x58: {  	(erf) = vpow2.f32 v9;
	v2 =	vmul.f32 v2, v4;
	_ =	sdelay $0x1  }
0x59: {  	v6 =	vld.idx.msk [tilespmem:v5+s14+$0x0], $0xffff;
	v8 =	vadd.f32 $-2.844967250e-01, v2  }
0x5a: {  	s18 =	simm.s32 $0x20;
	v5 =	vld.idx.msk [tilespmem:v7+s14+$0x0], $0xffff  }
0x5b: {  	s21 =	simm.s32 $0xC0;
	(erf) = vrcp.f32 v3;
	v2 =	vld [tilespmem:s18+$0xA000];
	v7 =	vmul.f32 v8, v4  }
.LBB2_2:
0x5c: {  	p1 =	sne.s32 s21, $0x139C0  }
0x5d: {  	v8 =	vpop (erf);
	v7 =	vadd.f32 $2.548295860e-01, v7  }
0x5e: {  	v9 =	vmul.f32 $1.061405420e+00, v8  }
0x5f: {  	v6 =	vmul.f32 $7.199822900e+00, v6;
	v7 =	vmul.f32 v7, v4;
	v4 =	vmov v8  }
0x60: {  	v10 =	vsub.f32 $0.0e+00, v1;
	v8 =	vmul.f32 $3.275910910e-01, v2;
	v11 =	vpop (erf)  }
0x61: {  	v9 =	vadd.f32 $-1.453152060e+00, v9;
	v5 =	vmul.f32 v5, v6;
	v12 =	vld [tilespmem:s19+$0x0];
	v7 =	vmul.f32 v7, v11  }
0x62: {  	v11 =	vadd.f32 $1.000000000e+00, v8;
	v8 =	vmul.f32 v10, v1  }
0x63: {  	v9 =	vmul.f32 v9, v4;
	v10 =	vld [tilespmem:s19+$0x5000];
	v5 =	vmul.f32 v7, v5  }
0x64: {  	(erf) = vrcp.f32 v11;
	v6 =	vpop (erf)  }
0x65: {  	v8 =	vmul.f32 $1.442695020e+00, v8;
	v7 =	vadd.f32 $1.421413780e+00, v9;
	v5 =	vmul.f32 v5, v6  }
0x66: {  	vm0 =	vle.f32 v3, $5.000000000e+00;
	v3 =	vmov v1;
	v1 =	vmov v2  }
.Ltmp0:
0x67: {  	v2 =	vmul.f32 v7, v4;
	(erf) = vpow2.f32 v8;
	v5 =	vnsel vm0, $0x0, v5;
	(pc) =	sbr.rel @p1 .LBB2_2-.Ltmp0, $4  }
0x68: {  	[tilespmem:s20+$0xF000] =	vst v5;
	s20 =	smov.u32 s19;
	s19 =	smov.u32 s18  }
0x69: {  	s18 =	sshra.s32 s21, $0x2;
	v7 =	vadd.f32 $-2.844967250e-01, v2;
	v6 =	vld.idx.msk [tilespmem:v12+s14+$0x0], $0xffff  }
0x6a: {  	v2 =	vld [tilespmem:s18+$0xA000]  }
0x6b: {  	s21 =	sadd.s32 $0x40, s21;
	v7 =	vmul.f32 v7, v4;
	v5 =	vld.idx.msk [tilespmem:v10+s14+$0x0], $0xffff;
	(erf) = vrcp.f32 v3  }
0x6c: {  	_ = 	snop  }
0x6d: {  	v7 =	vadd.f32 $2.548295860e-01, v7;
	v8 =	vpop (erf)  }
0x6e: {  	v9 =	vmul.f32 $1.061405420e+00, v8;
	v6 =	vmul.f32 $7.199822900e+00, v6  }
0x6f: {  	v4 =	vmul.f32 v7, v4;
	v48 =	vmul.f32 $3.275910910e-01, v2  }
0x70: {  	v10 =	vsub.f32 $0.0e+00, v1;
	v11 =	vpop (erf);
	v9 =	vadd.f32 $-1.453152060e+00, v9  }
0x71: {  	v12 =	vld [tilespmem:s19+$0x0];
	v5 =	vmul.f32 v5, v6;
	v4 =	vmul.f32 v4, v11;
	v49 =	vadd.f32 $1.000000000e+00, v48  }
0x72: {  	v50 =	vmul.f32 v10, v1;
	v9 =	vmul.f32 v9, v8  }
0x73: {  	v51 =	vld [tilespmem:s19+$0x5000];
	v4 =	vmul.f32 v4, v5;
	(erf) = vrcp.f32 v49  }
0x74: {  	v7 =	vmul.f32 $1.442695020e+00, v50;
	v52 =	vpop (erf);
	v53 =	vadd.f32 $1.421413780e+00, v9  }
0x75: {  	v4 =	vmul.f32 v4, v52  }
0x76: {  	vm0 =	vle.f32 v3, $5.000000000e+00;
	(erf) = vpow2.f32 v7;
	v3 =	vmul.f32 v53, v8  }
0x77: {  	v4 =	vnsel vm0, $0x0, v4  }
0x78: {  	[tilespmem:s20+$0xF000] =	vst v4;
	v3 =	vadd.f32 $-2.844967250e-01, v3  }
0x79: {  	v4 =	vld.idx.msk [tilespmem:v12+s14+$0x0], $0xffff  }
0x7a: {  	(erf) = vrcp.f32 v1;
	v3 =	vmul.f32 v3, v8  }
0x7b: {  	v54 =	vld.idx.msk [tilespmem:v51+s14+$0x0], $0xffff  }
0x7c: {  	v55 =	vpop (erf);
	v3 =	vadd.f32 $2.548295860e-01, v3  }
0x7d: {  	v56 =	vmul.f32 $1.061405420e+00, v55  }
0x7e: {  	v3 =	vmul.f32 v3, v8;
	v4 =	vmul.f32 $7.199822900e+00, v4  }
0x7f: {  	v57 =	vsub.f32 $0.0e+00, v2;
	v58 =	vpop (erf)  }
0x80: {  	v59 =	vld [tilespmem:s18+$0x0];
	v7 =	vadd.f32 $-1.453152060e+00, v56;
	v3 =	vmul.f32 v3, v58;
	v4 =	vmul.f32 v54, v4  }
0x81: {  	v60 =	vmul.f32 v57, v2  }
0x82: {  	v61 =	vld [tilespmem:s18+$0x5000];
	v7 =	vmul.f32 v7, v55;
	v3 =	vmul.f32 v3, v4  }
0x83: {  	v62 =	vpop (erf)  }
0x84: {  	v5 =	vmul.f32 $1.442695020e+00, v60;
	v7 =	vadd.f32 $1.421413780e+00, v7;
	v3 =	vmul.f32 v3, v62  }
0x85: {  	vm14 =	vle.f32 v1, $5.000000000e+00  }
0x86: {  	(erf) = vpow2.f32 v5;
	v1 =	vmul.f32 v7, v55;
	v3 =	vnsel vm14, $0x0, v3  }
0x87: {  	[tilespmem:s19+$0xF000] =	vst v3  }
0x88: {  	v1 =	vadd.f32 $-2.844967250e-01, v1;
	v3 =	vld.idx.msk [tilespmem:v59+s14+$0x0], $0xffff;
	_ =	sdelay $0x1  }
0x89: {  	(erf) = vrcp.f32 v2;
	v63 =	vld.idx.msk [tilespmem:v61+s14+$0x0], $0xffff;
	v1 =	vmul.f32 v1, v55;
	_ =	sdelay $0x1  }
0x8a: {  	v1 =	vadd.f32 $2.548295860e-01, v1  }
0x8b: {  	v3 =	vmul.f32 $7.199822900e+00, v3  }
0x8c: {  	v1 =	vmul.f32 v1, v55  }
0x8d: {  	v5 =	vpop (erf);
	v3 =	vmul.f32 v63, v3  }
0x8e: {  	v1 =	vmul.f32 v1, v5;
	_ =	sdelay $0x1  }
0x8f: {  	v1 =	vmul.f32 v1, v3  }
0x90: {  	v3 =	vpop (erf)  }
0x91: {  	v1 =	vmul.f32 v1, v3  }
0x92: {  	vm15 =	vle.f32 v2, $5.000000000e+00  }
0x93: {  	v1 =	vnsel vm15, $0x0, v1  }
0x94: {  	[tilespmem:s18+$0xF000] =	vst v1  }
0x95: {  	s30 =	simm.s32 $0x0;
	s31 =	simm.s32 $0xF000;
	[bflag:$0x0] =	sbarrier.arrive $0xFFFF  }
0x96: {  	[spmem:s2] =	stream.indirect.scatter.add.f32 [tilespmem:s31], [sflag:$0x1], $0x1, s30, s15, $0xb8;
	[tilespmem:$0x16D00] =	vst v63  }
0x97: {  	s18 =	simm.s32 $0x200;
	_ =	swait.ge [sflag:s11], $0x80  }
.LBB2_4:
0x98: {  	s19 =	sshra.s32 s18, $0x2;
	[sflag:s11] =	ssyncset.done $0x0;
	p1 =	sne.s32 s18, $0x13800  }
.Ltmp1:
0x99: {  	s20 =	sadd.s32 $0xF000, s19;
	[sflag:s11] =	ssyncadd.s32 $0xFFFFFF80;
	(pc) =	sbr.rel @p1 .LBB2_4-.Ltmp1, $3  }
0x9a: {  	[spmem:s2] =	stream.indirect.scatter.add.f32 [tilespmem:s20], [sflag:$0x1], $0x1, s19, s15, $0xb8;
	[tilespmem:$0x16D00] =	vst v63  }
0x9b: {  	s18 =	sadd.s32 $0x200, s18;
	_ =	sdelay $0x1  }
0x9c: {  	_ =	swait.ge [sflag:s11], $0x80  }
0x9d: {  	[sflag:s11] =	ssyncset.done $0x0  }
0x9e: {  	s18 =	simm.s32 @!p0 $0x1;
	s19 =	simm.s32 @!p0 $0x20;
	s17 =	sadd.s32 $0x1, s17  }
0x9f: {  	s20 =	simm.s32 @!p0 $0x10;
	[sflag:s11] =	ssyncadd.s32 $0xFFFFFF80;
	p1 =	sne.s32 s17, s9  }
.Ltmp2:
0xa0: {  	s21 =	simm.s32 @!p0 $0x1C01;
	[bflag:$0x0] =	sbarrier.arrive $0xFFFF;
	(pc) =	sbr.rel @p1 .LBB2_1-.Ltmp2, $4  }
0xa1: {  	[hbm:s8@s19], [sflag:s21] =	dma.strided @!p0 [spmem:s16@s20], $0x500, s18, $0x10   }
0xa2: {  	_ =	swait.ge @!p0 [sflag:s18], $0x500  }
0xa3: {  	[sflag:s18] =	ssyncset.done @!p0 $0x0  }
0xa4: {  	[sflag:s18] =	ssyncadd.s32 @!p0 $0xFFFFFB00  }
0xa5: {  	_ =	sfence.sel $0x180000  }
0xa6: {  	[bflag:$0x0] =	sbarrier.arrive $0xFFFF  }
0xa7: {  	_ =	strace $0x90000047  }
0xa8: {  	s0 =	sadd.s32 @!p0 $0x100000, s0;
	[bflag:$0x2] =	sbarrier.arrive $0xFFFF  }
0xa9: {  	[sflag:s0] =	ssyncadd.tile.s32 @!p0 $0x1;
	_ =	shalt  }
.Lfunc_end2:
_tile_overlayer_lowered:
.L_overlay_start_2:
0xaa: {  	(tag) =	ssettag $0x2  }
0xab: {  	s0 =	rddreg [dreg:$0x0];
	s2 =	stileid.u32  }
0xac: {  	s1 =	rddreg [dreg:$0x1];
	p0 =	sne.s32 s2, $0x0  }
0xad: {  	s3 =	rddreg [dreg:$0x2];
	[bflag:$0x3] =	sbarrier.arrive $0xFFFF;
	s2 =	simm.s32 @!p0 $0x1C01  }
0xae: {  	[timem:s3], [sflag:s2] =	dma.local @!p0 [hbm:s0], s1  }
0xaf: {  	s0 =	simm.s32 @!p0 $0x1  }
0xb0: {  	_ =	swait.ge @!p0 [sflag:s0], s1  }
0xb1: {  	s1 =	ssub.s32 @!p0 $0x0, s1;
	[sflag:s0] =	ssyncset.done @!p0 $0x0  }
0xb2: {  	[sflag:s0] =	ssyncadd.s32 @!p0 s1  }
0xb3: {  	[bflag:$0x3] =	sbarrier.arrive $0xFFFF  }
0xb4: {  	_ =	shalt  }

</sc_bundles>
